<compile_context>
chip_gen: v7x
topology: tpu7x:2x2x1
jax: 0.10.2.dev20260603
libtpu: 0.0.44.dev20260713+nightly
codegen_flags: <defaults>
</compile_context>

<pallas_src>
import functools

import jax
import jax.numpy as jnp
from jax import lax
from jax.experimental import pallas as pl
from jax.experimental.pallas import tpu as pltpu
from jax.experimental.pallas import tpu_sc as plsc

_NUM_PREDICATES = 256
_BATCH = 65536
_GATHER_IDX = (0, 17, 42, 100, 128, 200, 255, 60)
_SIGNS = (-1.0, 1.0, -1.0, 1.0, -1.0, 1.0, -1.0, 1.0)
_L = 8
_MIN_W = 0.0
_MAX_W = 500.0

_NW = 32
_ROWS_PER_W = _BATCH // _NW
_CHUNK = 32
_NCHUNK = _ROWS_PER_W // _CHUNK
_NBUF = 4

def _sc_body(atoms_hbm, w_hbm, out_hbm, delta_hbm,
             ibufs, obufs, dbufs, wbuf, isems, osems, dsems):
    info = plsc.get_sparse_core_info()
    nc = info.num_cores
    wid = lax.axis_index("s") * nc + lax.axis_index("c")
    base_row = wid * _ROWS_PER_W

    pltpu.sync_copy(w_hbm, wbuf)
    wv = jnp.clip(wbuf[...], _MIN_W, _MAX_W)
    iota = lax.iota(jnp.int32, 16)
    zeros16 = jnp.zeros((16,), jnp.float32)

    def zero_row(r, _):
        for ob in obufs:
            for k in range(_NUM_PREDICATES // 16):
                ob[r, pl.ds(k * 16, 16)] = zeros16
        return 0

    lax.fori_loop(0, _CHUNK, zero_row, 0)

    def start_in(ch, b):
        row0 = base_row + ch * _CHUNK
        pltpu.async_copy(atoms_hbm.at[pl.ds(row0, _CHUNK)], ibufs[b], isems[b])

    def wait_in(ch, b):
        row0 = base_row + ch * _CHUNK
        pltpu.make_async_copy(
            atoms_hbm.at[pl.ds(row0, _CHUNK)], ibufs[b], isems[b]).wait()

    def wait_out(ch, b):
        row0 = base_row + ch * _CHUNK
        pltpu.make_async_copy(
            obufs[b], out_hbm.at[pl.ds(row0, _CHUNK)], osems[b]).wait()
        pltpu.make_async_copy(
            dbufs[b], delta_hbm.at[pl.ds(row0, _CHUNK)], dsems[b]).wait()

    for b in range(_NBUF):
        start_in(b, b)

    def do_pair(g, _):
        for b in range(_NBUF):
            ch = g * _NBUF + b
            wait_in(ch, b)

            @pl.when(ch >= _NBUF)
            def _():
                wait_out(ch - _NBUF, b)

            def do_group(gr, _):
                riota = gr * 16 + iota
                xs = [
                    plsc.load_gather(
                        ibufs[b], [riota, jnp.full((16,), col, jnp.int32)])
                    for col in _GATHER_IDX
                ]
                zs = [x * s for x, s in zip(xs, _SIGNS)]
                m = zs[0]
                for z in zs[1:]:
                    m = jnp.maximum(m, z)
                es = [jnp.exp(z - m) for z in zs]
                tot = es[0]
                for e in es[1:]:
                    tot = tot + e
                inv = wv / tot
                for l, (e, col, s) in enumerate(zip(es, _GATHER_IDX, _SIGNS)):
                    d = e * inv * s
                    plsc.store_scatter(
                        obufs[b], [riota, jnp.full((16,), col, jnp.int32)], d)
                    plsc.store_scatter(
                        dbufs[b], [riota, jnp.full((16,), l, jnp.int32)], d)
                return 0

            lax.fori_loop(0, _CHUNK // 16, do_group, 0)

            row0 = base_row + ch * _CHUNK
            pltpu.async_copy(obufs[b], out_hbm.at[pl.ds(row0, _CHUNK)],
                             osems[b])
            pltpu.async_copy(dbufs[b], delta_hbm.at[pl.ds(row0, _CHUNK)],
                             dsems[b])

            @pl.when(ch + _NBUF < _NCHUNK)
            def _():
                start_in(ch + _NBUF, b)
        return 0

    lax.fori_loop(0, _NCHUNK // _NBUF, do_pair, 0)

    for b in range(_NBUF):
        wait_out(_NCHUNK - _NBUF + b, b)


@functools.partial(jax.jit, static_argnums=())
def _sc_call(ground_atoms, w_splat):
    mesh = plsc.VectorSubcoreMesh(core_axis_name="c", subcore_axis_name="s")
    return pl.kernel(
        _sc_body,
        out_type=(
            jax.ShapeDtypeStruct((_BATCH, _NUM_PREDICATES), jnp.float32),
            jax.ShapeDtypeStruct((_BATCH, _L), jnp.float32),
        ),
        mesh=mesh,
        scratch_types=[
            [pltpu.VMEM((_CHUNK, _NUM_PREDICATES), jnp.float32)] * _NBUF,
            [pltpu.VMEM((_CHUNK, _NUM_PREDICATES), jnp.float32)] * _NBUF,
            [pltpu.VMEM((_CHUNK, _L), jnp.float32)] * _NBUF,
            pltpu.VMEM((16,), jnp.float32),
            [pltpu.SemaphoreType.DMA] * _NBUF,
            [pltpu.SemaphoreType.DMA] * _NBUF,
            [pltpu.SemaphoreType.DMA] * _NBUF,
        ],
        compiler_params=pltpu.CompilerParams(
            use_tc_tiling_on_sc=True, needs_layout_passes=False,
            disable_bounds_checks=True, disable_semaphore_checks=True),
    )(ground_atoms, w_splat)


def kernel(ground_atoms, clause_weight):
    w_splat = jnp.full((16,), clause_weight, dtype=jnp.float32)
    return _sc_call(ground_atoms, w_splat)

# --- scband reference (transcript-rebuilt; emitter-appended) ---
"""Pipeline reference for scband-clause-enhancer-18064632447462 (READ-ONLY COPY).

The authoritative reference and input builder live on the scoring server;
editing this copy changes nothing except your own understanding.
"""

import jax, jax.numpy as jnp
import numpy as np

NUM_PREDICATES = 256
BATCH = 65536
# clause: _:nP0,P17,nP42,P100,nP128,P200,nP255,P60
GATHER_IDX = np.array([0, 17, 42, 100, 128, 200, 255, 60], dtype=np.int32)
SIGNS = np.array([-1.0, 1.0, -1.0, 1.0, -1.0, 1.0, -1.0, 1.0], dtype=np.float32)
MIN_W = 0.0
MAX_W = 500.0


def setup_inputs(seed: int = 0) -> dict:
    key = jax.random.key(seed)
    k1, k2 = jax.random.split(key)
    ground_atoms = jax.random.normal(k1, (BATCH, NUM_PREDICATES), dtype=jnp.float32)
    # learned clause weight (weight_string == '_', so it is a trainable scalar)
    clause_weight = jnp.asarray(0.5, dtype=jnp.float32)
    return {"ground_atoms": ground_atoms, "clause_weight": clause_weight}


def reference(ground_atoms, clause_weight):
    idx = jnp.asarray(GATHER_IDX)
    signs = jnp.asarray(SIGNS)
    # GodelBoostConorm: clamp learned weight, softmax over signed literals
    w = jnp.clip(clause_weight, MIN_W, MAX_W)
    selected_predicates = jnp.take(ground_atoms, idx, axis=-1)  # [b, l] gather
    delta = w * signs * jax.nn.softmax(selected_predicates * signs, axis=-1)  # [b, l]
    # scatter-overwrite delta back into a zeros tensor shaped like ground_atoms
    scattered_delta = jnp.zeros_like(ground_atoms).at[..., idx].set(delta)
    return scattered_delta, delta

if __name__ == "__main__":
    import jax
    _d = setup_inputs()
    print(jax.jit(kernel)(*tuple(_d.values())))

</pallas_src>

<mosaic_0001>
#map = affine_map<(d0, d1) -> (0, 0)>
#map1 = affine_map<(d0, d1) -> (0)>
module attributes {stable_mosaic.version = 14 : i64} {
  func.func @_sc_body(%arg0: i32, %arg1: i32, %arg2: memref<65536x256xf32, #tpu.memory_space<hbm>>, %arg3: memref<16xf32, #tpu.memory_space<hbm>>, %arg4: memref<65536x256xf32, #tpu.memory_space<hbm>>, %arg5: memref<65536x8xf32, #tpu.memory_space<hbm>>, %arg6: memref<32x256xf32, #tpu.memory_space<vmem>>, %arg7: memref<32x256xf32, #tpu.memory_space<vmem>>, %arg8: memref<32x256xf32, #tpu.memory_space<vmem>>, %arg9: memref<32x256xf32, #tpu.memory_space<vmem>>, %arg10: memref<32x256xf32, #tpu.memory_space<vmem>>, %arg11: memref<32x256xf32, #tpu.memory_space<vmem>>, %arg12: memref<32x256xf32, #tpu.memory_space<vmem>>, %arg13: memref<32x256xf32, #tpu.memory_space<vmem>>, %arg14: memref<32x8xf32, #tpu.memory_space<vmem>>, %arg15: memref<32x8xf32, #tpu.memory_space<vmem>>, %arg16: memref<32x8xf32, #tpu.memory_space<vmem>>, %arg17: memref<32x8xf32, #tpu.memory_space<vmem>>, %arg18: memref<16xf32, #tpu.memory_space<vmem>>, %arg19: memref<!tpu.dma_semaphore, #tpu.memory_space<semaphore_mem>>, %arg20: memref<!tpu.dma_semaphore, #tpu.memory_space<semaphore_mem>>, %arg21: memref<!tpu.dma_semaphore, #tpu.memory_space<semaphore_mem>>, %arg22: memref<!tpu.dma_semaphore, #tpu.memory_space<semaphore_mem>>, %arg23: memref<!tpu.dma_semaphore, #tpu.memory_space<semaphore_mem>>, %arg24: memref<!tpu.dma_semaphore, #tpu.memory_space<semaphore_mem>>, %arg25: memref<!tpu.dma_semaphore, #tpu.memory_space<semaphore_mem>>, %arg26: memref<!tpu.dma_semaphore, #tpu.memory_space<semaphore_mem>>, %arg27: memref<!tpu.dma_semaphore, #tpu.memory_space<semaphore_mem>>, %arg28: memref<!tpu.dma_semaphore, #tpu.memory_space<semaphore_mem>>, %arg29: memref<!tpu.dma_semaphore, #tpu.memory_space<semaphore_mem>>, %arg30: memref<!tpu.dma_semaphore, #tpu.memory_space<semaphore_mem>>) attributes {dimension_semantics = [#tpu.dimension_semantics<core_parallel>, #tpu.dimension_semantics<subcore_parallel>], iteration_bounds = array<i64: 2, 16>, scalar_prefetch = 0 : i64, scratch_operands = 25 : i64, tpu.core_type = #tpu.core_type<sc_vector_subcore>, window_params = [{transform_indices = #map}, {transform_indices = #map1}, {transform_indices = #map}, {transform_indices = #map}]} {
    %mul3A = arith.constant 2 : i32
    %mul3A_0 = arith.muli %arg1, %mul3A : i32
    %add3A = arith.addi %mul3A_0, %arg0 : i32
    %mul3A_1 = arith.constant 2048 : i32
    %mul3A_2 = arith.muli %add3A, %mul3A_1 : i32
    "tpu.region"() ({
      %run_scoped3A = tpu.sem_alloc : memref<!tpu.dma_semaphore, #tpu.memory_space<semaphore_mem>>
      tpu.enqueue_dma source(%arg3 : memref<16xf32, #tpu.memory_space<hbm>>) target(%arg18 : memref<16xf32, #tpu.memory_space<vmem>>) target_semaphore(%run_scoped3A : memref<!tpu.dma_semaphore, #tpu.memory_space<semaphore_mem>>)
      tpu.wait_dma2 semaphore(%run_scoped3A : memref<!tpu.dma_semaphore, #tpu.memory_space<semaphore_mem>>) src(%arg3 : memref<16xf32, #tpu.memory_space<hbm>>) dst(%arg18 : memref<16xf32, #tpu.memory_space<vmem>>)
      tpu.yield
    }) : () -> ()
    %get3A = arith.constant 0 : index
    %get3A_3 = tpu.vector_load %arg18[%get3A] {strides = array<i32>} : memref<16xf32, #tpu.memory_space<vmem>>, vector<16xf32>,
    %jit3A = arith.constant 0.000000e+00 : f32
    %jit3A_4 = arith.constant 5.000000e+02 : f32
    %max3A = vector.broadcast %jit3A : f32 to vector<16xf32>
    %max3A_5 = arith.maximumf %max3A, %get3A_3 : vector<16xf32>
    %min3A = vector.broadcast %jit3A_4 : f32 to vector<16xf32>
    %min3A_6 = arith.minimumf %min3A, %max3A_5 : vector<16xf32>
    %iota3A = tpu.iota {dimensions = array<i32: 0>} : vector<16xi32>
    %broadcast_in_dim3A = arith.constant 0.000000e+00 : f32
    %broadcast_in_dim3A_7 = vector.broadcast %broadcast_in_dim3A : f32 to vector<16xf32>
    %scan3A = arith.constant 0 : i32
    %scan3A_8 = arith.constant 0 : i32
    %scan3A_9 = arith.constant 32 : i32
    %scan3A_10 = arith.addi %scan3A_8, %scan3A_9 : i32
    %scan3A_11 = arith.constant 1 : i32
    %scan3A_12 = scf.for %scan3A_83 = %scan3A_8 to %scan3A_10 step %scan3A_11 iter_args(%scan3A_84 = %scan3A) -> (i32)  : i32 {
      %swap3A = arith.index_cast %scan3A_83 : i32 to index
      %swap3A_85 = arith.constant 0 : index
      %swap3A_86 = tpu.vector_load %arg10[%swap3A, %swap3A_85] {strides = array<i32>} : memref<32x256xf32, #tpu.memory_space<vmem>>, vector<16xf32>,
      tpu.vector_store %arg10[%swap3A, %swap3A_85], %broadcast_in_dim3A_7 {strides = array<i32>} : memref<32x256xf32, #tpu.memory_space<vmem>>, vector<16xf32>,
      %swap3A_87 = arith.index_cast %scan3A_83 : i32 to index
      %swap3A_88 = arith.constant 16 : index
      %swap3A_89 = tpu.vector_load %arg10[%swap3A_87, %swap3A_88] {strides = array<i32>} : memref<32x256xf32, #tpu.memory_space<vmem>>, vector<16xf32>,
      tpu.vector_store %arg10[%swap3A_87, %swap3A_88], %broadcast_in_dim3A_7 {strides = array<i32>} : memref<32x256xf32, #tpu.memory_space<vmem>>, vector<16xf32>,
      %swap3A_90 = arith.index_cast %scan3A_83 : i32 to index
      %swap3A_91 = arith.constant 32 : index
      %swap3A_92 = tpu.vector_load %arg10[%swap3A_90, %swap3A_91] {strides = array<i32>} : memref<32x256xf32, #tpu.memory_space<vmem>>, vector<16xf32>,
      tpu.vector_store %arg10[%swap3A_90, %swap3A_91], %broadcast_in_dim3A_7 {strides = array<i32>} : memref<32x256xf32, #tpu.memory_space<vmem>>, vector<16xf32>,
      %swap3A_93 = arith.index_cast %scan3A_83 : i32 to index
      %swap3A_94 = arith.constant 48 : index
      %swap3A_95 = tpu.vector_load %arg10[%swap3A_93, %swap3A_94] {strides = array<i32>} : memref<32x256xf32, #tpu.memory_space<vmem>>, vector<16xf32>,
      tpu.vector_store %arg10[%swap3A_93, %swap3A_94], %broadcast_in_dim3A_7 {strides = array<i32>} : memref<32x256xf32, #tpu.memory_space<vmem>>, vector<16xf32>,
      %swap3A_96 = arith.index_cast %scan3A_83 : i32 to index
      %swap3A_97 = arith.constant 64 : index
      %swap3A_98 = tpu.vector_load %arg10[%swap3A_96, %swap3A_97] {strides = array<i32>} : memref<32x256xf32, #tpu.memory_space<vmem>>, vector<16xf32>,
      tpu.vector_store %arg10[%swap3A_96, %swap3A_97], %broadcast_in_dim3A_7 {strides = array<i32>} : memref<32x256xf32, #tpu.memory_space<vmem>>, vector<16xf32>,
      %swap3A_99 = arith.index_cast %scan3A_83 : i32 to index
      %swap3A_100 = arith.constant 80 : index
      %swap3A_101 = tpu.vector_load %arg10[%swap3A_99, %swap3A_100] {strides = array<i32>} : memref<32x256xf32, #tpu.memory_space<vmem>>, vector<16xf32>,
      tpu.vector_store %arg10[%swap3A_99, %swap3A_100], %broadcast_in_dim3A_7 {strides = array<i32>} : memref<32x256xf32, #tpu.memory_space<vmem>>, vector<16xf32>,
      %swap3A_102 = arith.index_cast %scan3A_83 : i32 to index
      %swap3A_103 = arith.constant 96 : index
      %swap3A_104 = tpu.vector_load %arg10[%swap3A_102, %swap3A_103] {strides = array<i32>} : memref<32x256xf32, #tpu.memory_space<vmem>>, vector<16xf32>,
      tpu.vector_store %arg10[%swap3A_102, %swap3A_103], %broadcast_in_dim3A_7 {strides = array<i32>} : memref<32x256xf32, #tpu.memory_space<vmem>>, vector<16xf32>,
      %swap3A_105 = arith.index_cast %scan3A_83 : i32 to index
      %swap3A_106 = arith.constant 112 : index
      %swap3A_107 = tpu.vector_load %arg10[%swap3A_105, %swap3A_106] {strides = array<i32>} : memref<32x256xf32, #tpu.memory_space<vmem>>, vector<16xf32>,
      tpu.vector_store %arg10[%swap3A_105, %swap3A_106], %broadcast_in_dim3A_7 {strides = array<i32>} : memref<32x256xf32, #tpu.memory_space<vmem>>, vector<16xf32>,
      %swap3A_108 = arith.index_cast %scan3A_83 : i32 to index
      %swap3A_109 = arith.constant 128 : index
      %swap3A_110 = tpu.vector_load %arg10[%swap3A_108, %swap3A_109] {strides = array<i32>} : memref<32x256xf32, #tpu.memory_space<vmem>>, vector<16xf32>,
      tpu.vector_store %arg10[%swap3A_108, %swap3A_109], %broadcast_in_dim3A_7 {strides = array<i32>} : memref<32x256xf32, #tpu.memory_space<vmem>>, vector<16xf32>,
      %swap3A_111 = arith.index_cast %scan3A_83 : i32 to index
      %swap3A_112 = arith.constant 144 : index
      %swap3A_113 = tpu.vector_load %arg10[%swap3A_111, %swap3A_112] {strides = array<i32>} : memref<32x256xf32, #tpu.memory_space<vmem>>, vector<16xf32>,
      tpu.vector_store %arg10[%swap3A_111, %swap3A_112], %broadcast_in_dim3A_7 {strides = array<i32>} : memref<32x256xf32, #tpu.memory_space<vmem>>, vector<16xf32>,
      %swap3A_114 = arith.index_cast %scan3A_83 : i32 to index
      %swap3A_115 = arith.constant 160 : index
      %swap3A_116 = tpu.vector_load %arg10[%swap3A_114, %swap3A_115] {strides = array<i32>} : memref<32x256xf32, #tpu.memory_space<vmem>>, vector<16xf32>,
      tpu.vector_store %arg10[%swap3A_114, %swap3A_115], %broadcast_in_dim3A_7 {strides = array<i32>} : memref<32x256xf32, #tpu.memory_space<vmem>>, vector<16xf32>,
      %swap3A_117 = arith.index_cast %scan3A_83 : i32 to index
      %swap3A_118 = arith.constant 176 : index
      %swap3A_119 = tpu.vector_load %arg10[%swap3A_117, %swap3A_118] {strides = array<i32>} : memref<32x256xf32, #tpu.memory_space<vmem>>, vector<16xf32>,
      tpu.vector_store %arg10[%swap3A_117, %swap3A_118], %broadcast_in_dim3A_7 {strides = array<i32>} : memref<32x256xf32, #tpu.memory_space<vmem>>, vector<16xf32>,
      %swap3A_120 = arith.index_cast %scan3A_83 : i32 to index
      %swap3A_121 = arith.constant 192 : index
      %swap3A_122 = tpu.vector_load %arg10[%swap3A_120, %swap3A_121] {strides = array<i32>} : memref<32x256xf32, #tpu.memory_space<vmem>>, vector<16xf32>,
      tpu.vector_store %arg10[%swap3A_120, %swap3A_121], %broadcast_in_dim3A_7 {strides = array<i32>} : memref<32x256xf32, #tpu.memory_space<vmem>>, vector<16xf32>,
      %swap3A_123 = arith.index_cast %scan3A_83 : i32 to index
      %swap3A_124 = arith.constant 208 : index
      %swap3A_125 = tpu.vector_load %arg10[%swap3A_123, %swap3A_124] {strides = array<i32>} : memref<32x256xf32, #tpu.memory_space<vmem>>, vector<16xf32>,
      tpu.vector_store %arg10[%swap3A_123, %swap3A_124], %broadcast_in_dim3A_7 {strides = array<i32>} : memref<32x256xf32, #tpu.memory_space<vmem>>, vector<16xf32>,
      %swap3A_126 = arith.index_cast %scan3A_83 : i32 to index
      %swap3A_127 = arith.constant 224 : index
      %swap3A_128 = tpu.vector_load %arg10[%swap3A_126, %swap3A_127] {strides = array<i32>} : memref<32x256xf32, #tpu.memory_space<vmem>>, vector<16xf32>,
      tpu.vector_store %arg10[%swap3A_126, %swap3A_127], %broadcast_in_dim3A_7 {strides = array<i32>} : memref<32x256xf32, #tpu.memory_space<vmem>>, vector<16xf32>,
      %swap3A_129 = arith.index_cast %scan3A_83 : i32 to index
      %swap3A_130 = arith.constant 240 : index
      %swap3A_131 = tpu.vector_load %arg10[%swap3A_129, %swap3A_130] {strides = array<i32>} : memref<32x256xf32, #tpu.memory_space<vmem>>, vector<16xf32>,
      tpu.vector_store %arg10[%swap3A_129, %swap3A_130], %broadcast_in_dim3A_7 {strides = array<i32>} : memref<32x256xf32, #tpu.memory_space<vmem>>, vector<16xf32>,
      %swap3A_132 = arith.index_cast %scan3A_83 : i32 to index
      %swap3A_133 = arith.constant 0 : index
      %swap3A_134 = tpu.vector_load %arg11[%swap3A_132, %swap3A_133] {strides = array<i32>} : memref<32x256xf32, #tpu.memory_space<vmem>>, vector<16xf32>,
      tpu.vector_store %arg11[%swap3A_132, %swap3A_133], %broadcast_in_dim3A_7 {strides = array<i32>} : memref<32x256xf32, #tpu.memory_space<vmem>>, vector<16xf32>,
      %swap3A_135 = arith.index_cast %scan3A_83 : i32 to index
      %swap3A_136 = arith.constant 16 : index
      %swap3A_137 = tpu.vector_load %arg11[%swap3A_135, %swap3A_136] {strides = array<i32>} : memref<32x256xf32, #tpu.memory_space<vmem>>, vector<16xf32>,
      tpu.vector_store %arg11[%swap3A_135, %swap3A_136], %broadcast_in_dim3A_7 {strides = array<i32>} : memref<32x256xf32, #tpu.memory_space<vmem>>, vector<16xf32>,
      %swap3A_138 = arith.index_cast %scan3A_83 : i32 to index
      %swap3A_139 = arith.constant 32 : index
      %swap3A_140 = tpu.vector_load %arg11[%swap3A_138, %swap3A_139] {strides = array<i32>} : memref<32x256xf32, #tpu.memory_space<vmem>>, vector<16xf32>,
      tpu.vector_store %arg11[%swap3A_138, %swap3A_139], %broadcast_in_dim3A_7 {strides = array<i32>} : memref<32x256xf32, #tpu.memory_space<vmem>>, vector<16xf32>,
      %swap3A_141 = arith.index_cast %scan3A_83 : i32 to index
      %swap3A_142 = arith.constant 48 : index
      %swap3A_143 = tpu.vector_load %arg11[%swap3A_141, %swap3A_142] {strides = array<i32>} : memref<32x256xf32, #tpu.memory_space<vmem>>, vector<16xf32>,
      tpu.vector_store %arg11[%swap3A_141, %swap3A_142], %broadcast_in_dim3A_7 {strides = array<i32>} : memref<32x256xf32, #tpu.memory_space<vmem>>, vector<16xf32>,
      %swap3A_144 = arith.index_cast %scan3A_83 : i32 to index
      %swap3A_145 = arith.constant 64 : index
      %swap3A_146 = tpu.vector_load %arg11[%swap3A_144, %swap3A_145] {strides = array<i32>} : memref<32x256xf32, #tpu.memory_space<vmem>>, vector<16xf32>,
      tpu.vector_store %arg11[%swap3A_144, %swap3A_145], %broadcast_in_dim3A_7 {strides = array<i32>} : memref<32x256xf32, #tpu.memory_space<vmem>>, vector<16xf32>,
      %swap3A_147 = arith.index_cast %scan3A_83 : i32 to index
      %swap3A_148 = arith.constant 80 : index
      %swap3A_149 = tpu.vector_load %arg11[%swap3A_147, %swap3A_148] {strides = array<i32>} : memref<32x256xf32, #tpu.memory_space<vmem>>, vector<16xf32>,
      tpu.vector_store %arg11[%swap3A_147, %swap3A_148], %broadcast_in_dim3A_7 {strides = array<i32>} : memref<32x256xf32, #tpu.memory_space<vmem>>, vector<16xf32>,
      %swap3A_150 = arith.index_cast %scan3A_83 : i32 to index
      %swap3A_151 = arith.constant 96 : index
      %swap3A_152 = tpu.vector_load %arg11[%swap3A_150, %swap3A_151] {strides = array<i32>} : memref<32x256xf32, #tpu.memory_space<vmem>>, vector<16xf32>,
      tpu.vector_store %arg11[%swap3A_150, %swap3A_151], %broadcast_in_dim3A_7 {strides = array<i32>} : memref<32x256xf32, #tpu.memory_space<vmem>>, vector<16xf32>,
      %swap3A_153 = arith.index_cast %scan3A_83 : i32 to index
      %swap3A_154 = arith.constant 112 : index
      %swap3A_155 = tpu.vector_load %arg11[%swap3A_153, %swap3A_154] {strides = array<i32>} : memref<32x256xf32, #tpu.memory_space<vmem>>, vector<16xf32>,
      tpu.vector_store %arg11[%swap3A_153, %swap3A_154], %broadcast_in_dim3A_7 {strides = array<i32>} : memref<32x256xf32, #tpu.memory_space<vmem>>, vector<16xf32>,
      %swap3A_156 = arith.index_cast %scan3A_83 : i32 to index
      %swap3A_157 = arith.constant 128 : index
      %swap3A_158 = tpu.vector_load %arg11[%swap3A_156, %swap3A_157] {strides = array<i32>} : memref<32x256xf32, #tpu.memory_space<vmem>>, vector<16xf32>,
      tpu.vector_store %arg11[%swap3A_156, %swap3A_157], %broadcast_in_dim3A_7 {strides = array<i32>} : memref<32x256xf32, #tpu.memory_space<vmem>>, vector<16xf32>,
      %swap3A_159 = arith.index_cast %scan3A_83 : i32 to index
      %swap3A_160 = arith.constant 144 : index
      %swap3A_161 = tpu.vector_load %arg11[%swap3A_159, %swap3A_160] {strides = array<i32>} : memref<32x256xf32, #tpu.memory_space<vmem>>, vector<16xf32>,
      tpu.vector_store %arg11[%swap3A_159, %swap3A_160], %broadcast_in_dim3A_7 {strides = array<i32>} : memref<32x256xf32, #tpu.memory_space<vmem>>, vector<16xf32>,
      %swap3A_162 = arith.index_cast %scan3A_83 : i32 to index
      %swap3A_163 = arith.constant 160 : index
      %swap3A_164 = tpu.vector_load %arg11[%swap3A_162, %swap3A_163] {strides = array<i32>} : memref<32x256xf32, #tpu.memory_space<vmem>>, vector<16xf32>,
      tpu.vector_store %arg11[%swap3A_162, %swap3A_163], %broadcast_in_dim3A_7 {strides = array<i32>} : memref<32x256xf32, #tpu.memory_space<vmem>>, vector<16xf32>,
      %swap3A_165 = arith.index_cast %scan3A_83 : i32 to index
      %swap3A_166 = arith.constant 176 : index
      %swap3A_167 = tpu.vector_load %arg11[%swap3A_165, %swap3A_166] {strides = array<i32>} : memref<32x256xf32, #tpu.memory_space<vmem>>, vector<16xf32>,
      tpu.vector_store %arg11[%swap3A_165, %swap3A_166], %broadcast_in_dim3A_7 {strides = array<i32>} : memref<32x256xf32, #tpu.memory_space<vmem>>, vector<16xf32>,
      %swap3A_168 = arith.index_cast %scan3A_83 : i32 to index
      %swap3A_169 = arith.constant 192 : index
      %swap3A_170 = tpu.vector_load %arg11[%swap3A_168, %swap3A_169] {strides = array<i32>} : memref<32x256xf32, #tpu.memory_space<vmem>>, vector<16xf32>,
      tpu.vector_store %arg11[%swap3A_168, %swap3A_169], %broadcast_in_dim3A_7 {strides = array<i32>} : memref<32x256xf32, #tpu.memory_space<vmem>>, vector<16xf32>,
      %swap3A_171 = arith.index_cast %scan3A_83 : i32 to index
      %swap3A_172 = arith.constant 208 : index
      %swap3A_173 = tpu.vector_load %arg11[%swap3A_171, %swap3A_172] {strides = array<i32>} : memref<32x256xf32, #tpu.memory_space<vmem>>, vector<16xf32>,
      tpu.vector_store %arg11[%swap3A_171, %swap3A_172], %broadcast_in_dim3A_7 {strides = array<i32>} : memref<32x256xf32, #tpu.memory_space<vmem>>, vector<16xf32>,
      %swap3A_174 = arith.index_cast %scan3A_83 : i32 to index
      %swap3A_175 = arith.constant 224 : index
      %swap3A_176 = tpu.vector_load %arg11[%swap3A_174, %swap3A_175] {strides = array<i32>} : memref<32x256xf32, #tpu.memory_space<vmem>>, vector<16xf32>,
      tpu.vector_store %arg11[%swap3A_174, %swap3A_175], %broadcast_in_dim3A_7 {strides = array<i32>} : memref<32x256xf32, #tpu.memory_space<vmem>>, vector<16xf32>,
      %swap3A_177 = arith.index_cast %scan3A_83 : i32 to index
      %swap3A_178 = arith.constant 240 : index
      %swap3A_179 = tpu.vector_load %arg11[%swap3A_177, %swap3A_178] {strides = array<i32>} : memref<32x256xf32, #tpu.memory_space<vmem>>, vector<16xf32>,
      tpu.vector_store %arg11[%swap3A_177, %swap3A_178], %broadcast_in_dim3A_7 {strides = array<i32>} : memref<32x256xf32, #tpu.memory_space<vmem>>, vector<16xf32>,
      %swap3A_180 = arith.index_cast %scan3A_83 : i32 to index
      %swap3A_181 = arith.constant 0 : index
      %swap3A_182 = tpu.vector_load %arg12[%swap3A_180, %swap3A_181] {strides = array<i32>} : memref<32x256xf32, #tpu.memory_space<vmem>>, vector<16xf32>,
      tpu.vector_store %arg12[%swap3A_180, %swap3A_181], %broadcast_in_dim3A_7 {strides = array<i32>} : memref<32x256xf32, #tpu.memory_space<vmem>>, vector<16xf32>,
      %swap3A_183 = arith.index_cast %scan3A_83 : i32 to index
      %swap3A_184 = arith.constant 16 : index
      %swap3A_185 = tpu.vector_load %arg12[%swap3A_183, %swap3A_184] {strides = array<i32>} : memref<32x256xf32, #tpu.memory_space<vmem>>, vector<16xf32>,
      tpu.vector_store %arg12[%swap3A_183, %swap3A_184], %broadcast_in_dim3A_7 {strides = array<i32>} : memref<32x256xf32, #tpu.memory_space<vmem>>, vector<16xf32>,
      %swap3A_186 = arith.index_cast %scan3A_83 : i32 to index
      %swap3A_187 = arith.constant 32 : index
      %swap3A_188 = tpu.vector_load %arg12[%swap3A_186, %swap3A_187] {strides = array<i32>} : memref<32x256xf32, #tpu.memory_space<vmem>>, vector<16xf32>,
      tpu.vector_store %arg12[%swap3A_186, %swap3A_187], %broadcast_in_dim3A_7 {strides = array<i32>} : memref<32x256xf32, #tpu.memory_space<vmem>>, vector<16xf32>,
      %swap3A_189 = arith.index_cast %scan3A_83 : i32 to index
      %swap3A_190 = arith.constant 48 : index
      %swap3A_191 = tpu.vector_load %arg12[%swap3A_189, %swap3A_190] {strides = array<i32>} : memref<32x256xf32, #tpu.memory_space<vmem>>, vector<16xf32>,
      tpu.vector_store %arg12[%swap3A_189, %swap3A_190], %broadcast_in_dim3A_7 {strides = array<i32>} : memref<32x256xf32, #tpu.memory_space<vmem>>, vector<16xf32>,
      %swap3A_192 = arith.index_cast %scan3A_83 : i32 to index
      %swap3A_193 = arith.constant 64 : index
      %swap3A_194 = tpu.vector_load %arg12[%swap3A_192, %swap3A_193] {strides = array<i32>} : memref<32x256xf32, #tpu.memory_space<vmem>>, vector<16xf32>,
      tpu.vector_store %arg12[%swap3A_192, %swap3A_193], %broadcast_in_dim3A_7 {strides = array<i32>} : memref<32x256xf32, #tpu.memory_space<vmem>>, vector<16xf32>,
      %swap3A_195 = arith.index_cast %scan3A_83 : i32 to index
      %swap3A_196 = arith.constant 80 : index
      %swap3A_197 = tpu.vector_load %arg12[%swap3A_195, %swap3A_196] {strides = array<i32>} : memref<32x256xf32, #tpu.memory_space<vmem>>, vector<16xf32>,
      tpu.vector_store %arg12[%swap3A_195, %swap3A_196], %broadcast_in_dim3A_7 {strides = array<i32>} : memref<32x256xf32, #tpu.memory_space<vmem>>, vector<16xf32>,
      %swap3A_198 = arith.index_cast %scan3A_83 : i32 to index
      %swap3A_199 = arith.constant 96 : index
      %swap3A_200 = tpu.vector_load %arg12[%swap3A_198, %swap3A_199] {strides = array<i32>} : memref<32x256xf32, #tpu.memory_space<vmem>>, vector<16xf32>,
      tpu.vector_store %arg12[%swap3A_198, %swap3A_199], %broadcast_in_dim3A_7 {strides = array<i32>} : memref<32x256xf32, #tpu.memory_space<vmem>>, vector<16xf32>,
      %swap3A_201 = arith.index_cast %scan3A_83 : i32 to index
      %swap3A_202 = arith.constant 112 : index
      %swap3A_203 = tpu.vector_load %arg12[%swap3A_201, %swap3A_202] {strides = array<i32>} : memref<32x256xf32, #tpu.memory_space<vmem>>, vector<16xf32>,
      tpu.vector_store %arg12[%swap3A_201, %swap3A_202], %broadcast_in_dim3A_7 {strides = array<i32>} : memref<32x256xf32, #tpu.memory_space<vmem>>, vector<16xf32>,
      %swap3A_204 = arith.index_cast %scan3A_83 : i32 to index
      %swap3A_205 = arith.constant 128 : index
      %swap3A_206 = tpu.vector_load %arg12[%swap3A_204, %swap3A_205] {strides = array<i32>} : memref<32x256xf32, #tpu.memory_space<vmem>>, vector<16xf32>,
      tpu.vector_store %arg12[%swap3A_204, %swap3A_205], %broadcast_in_dim3A_7 {strides = array<i32>} : memref<32x256xf32, #tpu.memory_space<vmem>>, vector<16xf32>,
      %swap3A_207 = arith.index_cast %scan3A_83 : i32 to index
      %swap3A_208 = arith.constant 144 : index
      %swap3A_209 = tpu.vector_load %arg12[%swap3A_207, %swap3A_208] {strides = array<i32>} : memref<32x256xf32, #tpu.memory_space<vmem>>, vector<16xf32>,
      tpu.vector_store %arg12[%swap3A_207, %swap3A_208], %broadcast_in_dim3A_7 {strides = array<i32>} : memref<32x256xf32, #tpu.memory_space<vmem>>, vector<16xf32>,
      %swap3A_210 = arith.index_cast %scan3A_83 : i32 to index
      %swap3A_211 = arith.constant 160 : index
      %swap3A_212 = tpu.vector_load %arg12[%swap3A_210, %swap3A_211] {strides = array<i32>} : memref<32x256xf32, #tpu.memory_space<vmem>>, vector<16xf32>,
      tpu.vector_store %arg12[%swap3A_210, %swap3A_211], %broadcast_in_dim3A_7 {strides = array<i32>} : memref<32x256xf32, #tpu.memory_space<vmem>>, vector<16xf32>,
      %swap3A_213 = arith.index_cast %scan3A_83 : i32 to index
      %swap3A_214 = arith.constant 176 : index
      %swap3A_215 = tpu.vector_load %arg12[%swap3A_213, %swap3A_214] {strides = array<i32>} : memref<32x256xf32, #tpu.memory_space<vmem>>, vector<16xf32>,
      tpu.vector_store %arg12[%swap3A_213, %swap3A_214], %broadcast_in_dim3A_7 {strides = array<i32>} : memref<32x256xf32, #tpu.memory_space<vmem>>, vector<16xf32>,
      %swap3A_216 = arith.index_cast %scan3A_83 : i32 to index
      %swap3A_217 = arith.constant 192 : index
      %swap3A_218 = tpu.vector_load %arg12[%swap3A_216, %swap3A_217] {strides = array<i32>} : memref<32x256xf32, #tpu.memory_space<vmem>>, vector<16xf32>,
      tpu.vector_store %arg12[%swap3A_216, %swap3A_217], %broadcast_in_dim3A_7 {strides = array<i32>} : memref<32x256xf32, #tpu.memory_space<vmem>>, vector<16xf32>,
      %swap3A_219 = arith.index_cast %scan3A_83 : i32 to index
      %swap3A_220 = arith.constant 208 : index
      %swap3A_221 = tpu.vector_load %arg12[%swap3A_219, %swap3A_220] {strides = array<i32>} : memref<32x256xf32, #tpu.memory_space<vmem>>, vector<16xf32>,
      tpu.vector_store %arg12[%swap3A_219, %swap3A_220], %broadcast_in_dim3A_7 {strides = array<i32>} : memref<32x256xf32, #tpu.memory_space<vmem>>, vector<16xf32>,
      %swap3A_222 = arith.index_cast %scan3A_83 : i32 to index
      %swap3A_223 = arith.constant 224 : index
      %swap3A_224 = tpu.vector_load %arg12[%swap3A_222, %swap3A_223] {strides = array<i32>} : memref<32x256xf32, #tpu.memory_space<vmem>>, vector<16xf32>,
      tpu.vector_store %arg12[%swap3A_222, %swap3A_223], %broadcast_in_dim3A_7 {strides = array<i32>} : memref<32x256xf32, #tpu.memory_space<vmem>>, vector<16xf32>,
      %swap3A_225 = arith.index_cast %scan3A_83 : i32 to index
      %swap3A_226 = arith.constant 240 : index
      %swap3A_227 = tpu.vector_load %arg12[%swap3A_225, %swap3A_226] {strides = array<i32>} : memref<32x256xf32, #tpu.memory_space<vmem>>, vector<16xf32>,
      tpu.vector_store %arg12[%swap3A_225, %swap3A_226], %broadcast_in_dim3A_7 {strides = array<i32>} : memref<32x256xf32, #tpu.memory_space<vmem>>, vector<16xf32>,
      %swap3A_228 = arith.index_cast %scan3A_83 : i32 to index
      %swap3A_229 = arith.constant 0 : index
      %swap3A_230 = tpu.vector_load %arg13[%swap3A_228, %swap3A_229] {strides = array<i32>} : memref<32x256xf32, #tpu.memory_space<vmem>>, vector<16xf32>,
      tpu.vector_store %arg13[%swap3A_228, %swap3A_229], %broadcast_in_dim3A_7 {strides = array<i32>} : memref<32x256xf32, #tpu.memory_space<vmem>>, vector<16xf32>,
      %swap3A_231 = arith.index_cast %scan3A_83 : i32 to index
      %swap3A_232 = arith.constant 16 : index
      %swap3A_233 = tpu.vector_load %arg13[%swap3A_231, %swap3A_232] {strides = array<i32>} : memref<32x256xf32, #tpu.memory_space<vmem>>, vector<16xf32>,
      tpu.vector_store %arg13[%swap3A_231, %swap3A_232], %broadcast_in_dim3A_7 {strides = array<i32>} : memref<32x256xf32, #tpu.memory_space<vmem>>, vector<16xf32>,
      %swap3A_234 = arith.index_cast %scan3A_83 : i32 to index
      %swap3A_235 = arith.constant 32 : index
      %swap3A_236 = tpu.vector_load %arg13[%swap3A_234, %swap3A_235] {strides = array<i32>} : memref<32x256xf32, #tpu.memory_space<vmem>>, vector<16xf32>,
      tpu.vector_store %arg13[%swap3A_234, %swap3A_235], %broadcast_in_dim3A_7 {strides = array<i32>} : memref<32x256xf32, #tpu.memory_space<vmem>>, vector<16xf32>,
      %swap3A_237 = arith.index_cast %scan3A_83 : i32 to index
      %swap3A_238 = arith.constant 48 : index
      %swap3A_239 = tpu.vector_load %arg13[%swap3A_237, %swap3A_238] {strides = array<i32>} : memref<32x256xf32, #tpu.memory_space<vmem>>, vector<16xf32>,
      tpu.vector_store %arg13[%swap3A_237, %swap3A_238], %broadcast_in_dim3A_7 {strides = array<i32>} : memref<32x256xf32, #tpu.memory_space<vmem>>, vector<16xf32>,
      %swap3A_240 = arith.index_cast %scan3A_83 : i32 to index
      %swap3A_241 = arith.constant 64 : index
      %swap3A_242 = tpu.vector_load %arg13[%swap3A_240, %swap3A_241] {strides = array<i32>} : memref<32x256xf32, #tpu.memory_space<vmem>>, vector<16xf32>,
      tpu.vector_store %arg13[%swap3A_240, %swap3A_241], %broadcast_in_dim3A_7 {strides = array<i32>} : memref<32x256xf32, #tpu.memory_space<vmem>>, vector<16xf32>,
      %swap3A_243 = arith.index_cast %scan3A_83 : i32 to index
      %swap3A_244 = arith.constant 80 : index
      %swap3A_245 = tpu.vector_load %arg13[%swap3A_243, %swap3A_244] {strides = array<i32>} : memref<32x256xf32, #tpu.memory_space<vmem>>, vector<16xf32>,
      tpu.vector_store %arg13[%swap3A_243, %swap3A_244], %broadcast_in_dim3A_7 {strides = array<i32>} : memref<32x256xf32, #tpu.memory_space<vmem>>, vector<16xf32>,
      %swap3A_246 = arith.index_cast %scan3A_83 : i32 to index
      %swap3A_247 = arith.constant 96 : index
      %swap3A_248 = tpu.vector_load %arg13[%swap3A_246, %swap3A_247] {strides = array<i32>} : memref<32x256xf32, #tpu.memory_space<vmem>>, vector<16xf32>,
      tpu.vector_store %arg13[%swap3A_246, %swap3A_247], %broadcast_in_dim3A_7 {strides = array<i32>} : memref<32x256xf32, #tpu.memory_space<vmem>>, vector<16xf32>,
      %swap3A_249 = arith.index_cast %scan3A_83 : i32 to index
      %swap3A_250 = arith.constant 112 : index
      %swap3A_251 = tpu.vector_load %arg13[%swap3A_249, %swap3A_250] {strides = array<i32>} : memref<32x256xf32, #tpu.memory_space<vmem>>, vector<16xf32>,
      tpu.vector_store %arg13[%swap3A_249, %swap3A_250], %broadcast_in_dim3A_7 {strides = array<i32>} : memref<32x256xf32, #tpu.memory_space<vmem>>, vector<16xf32>,
      %swap3A_252 = arith.index_cast %scan3A_83 : i32 to index
      %swap3A_253 = arith.constant 128 : index
      %swap3A_254 = tpu.vector_load %arg13[%swap3A_252, %swap3A_253] {strides = array<i32>} : memref<32x256xf32, #tpu.memory_space<vmem>>, vector<16xf32>,
      tpu.vector_store %arg13[%swap3A_252, %swap3A_253], %broadcast_in_dim3A_7 {strides = array<i32>} : memref<32x256xf32, #tpu.memory_space<vmem>>, vector<16xf32>,
      %swap3A_255 = arith.index_cast %scan3A_83 : i32 to index
      %swap3A_256 = arith.constant 144 : index
      %swap3A_257 = tpu.vector_load %arg13[%swap3A_255, %swap3A_256] {strides = array<i32>} : memref<32x256xf32, #tpu.memory_space<vmem>>, vector<16xf32>,
      tpu.vector_store %arg13[%swap3A_255, %swap3A_256], %broadcast_in_dim3A_7 {strides = array<i32>} : memref<32x256xf32, #tpu.memory_space<vmem>>, vector<16xf32>,
      %swap3A_258 = arith.index_cast %scan3A_83 : i32 to index
      %swap3A_259 = arith.constant 160 : index
      %swap3A_260 = tpu.vector_load %arg13[%swap3A_258, %swap3A_259] {strides = array<i32>} : memref<32x256xf32, #tpu.memory_space<vmem>>, vector<16xf32>,
      tpu.vector_store %arg13[%swap3A_258, %swap3A_259], %broadcast_in_dim3A_7 {strides = array<i32>} : memref<32x256xf32, #tpu.memory_space<vmem>>, vector<16xf32>,
      %swap3A_261 = arith.index_cast %scan3A_83 : i32 to index
      %swap3A_262 = arith.constant 176 : index
      %swap3A_263 = tpu.vector_load %arg13[%swap3A_261, %swap3A_262] {strides = array<i32>} : memref<32x256xf32, #tpu.memory_space<vmem>>, vector<16xf32>,
      tpu.vector_store %arg13[%swap3A_261, %swap3A_262], %broadcast_in_dim3A_7 {strides = array<i32>} : memref<32x256xf32, #tpu.memory_space<vmem>>, vector<16xf32>,
      %swap3A_264 = arith.index_cast %scan3A_83 : i32 to index
      %swap3A_265 = arith.constant 192 : index
      %swap3A_266 = tpu.vector_load %arg13[%swap3A_264, %swap3A_265] {strides = array<i32>} : memref<32x256xf32, #tpu.memory_space<vmem>>, vector<16xf32>,
      tpu.vector_store %arg13[%swap3A_264, %swap3A_265], %broadcast_in_dim3A_7 {strides = array<i32>} : memref<32x256xf32, #tpu.memory_space<vmem>>, vector<16xf32>,
      %swap3A_267 = arith.index_cast %scan3A_83 : i32 to index
      %swap3A_268 = arith.constant 208 : index
      %swap3A_269 = tpu.vector_load %arg13[%swap3A_267, %swap3A_268] {strides = array<i32>} : memref<32x256xf32, #tpu.memory_space<vmem>>, vector<16xf32>,
      tpu.vector_store %arg13[%swap3A_267, %swap3A_268], %broadcast_in_dim3A_7 {strides = array<i32>} : memref<32x256xf32, #tpu.memory_space<vmem>>, vector<16xf32>,
      %swap3A_270 = arith.index_cast %scan3A_83 : i32 to index
      %swap3A_271 = arith.constant 224 : index
      %swap3A_272 = tpu.vector_load %arg13[%swap3A_270, %swap3A_271] {strides = array<i32>} : memref<32x256xf32, #tpu.memory_space<vmem>>, vector<16xf32>,
      tpu.vector_store %arg13[%swap3A_270, %swap3A_271], %broadcast_in_dim3A_7 {strides = array<i32>} : memref<32x256xf32, #tpu.memory_space<vmem>>, vector<16xf32>,
      %swap3A_273 = arith.index_cast %scan3A_83 : i32 to index
      %swap3A_274 = arith.constant 240 : index
      %swap3A_275 = tpu.vector_load %arg13[%swap3A_273, %swap3A_274] {strides = array<i32>} : memref<32x256xf32, #tpu.memory_space<vmem>>, vector<16xf32>,
      tpu.vector_store %arg13[%swap3A_273, %swap3A_274], %broadcast_in_dim3A_7 {strides = array<i32>} : memref<32x256xf32, #tpu.memory_space<vmem>>, vector<16xf32>,
      %scan3A_276 = arith.constant 0 : i32
      scf.yield %scan3A_276 : i32
    }
    %scan3A_13 = arith.constant 32 : i32
    %add3A_14 = arith.constant 0 : i32
    %add3A_15 = arith.addi %mul3A_2, %add3A_14 : i32
    %dma_start3A = arith.constant 0 : i32
    %dma_start3A_16 = tpu.memref_slice %arg2[%add3A_15, %dma_start3A] : memref<65536x256xf32, #tpu.memory_space<hbm>> -> memref<32x256xf32, #tpu.memory_space<hbm>>
    %dma_start3A_17 = arith.constant 0 : i32
    %dma_start3A_18 = tpu.memref_slice %arg2[%add3A_15, %dma_start3A_17] : memref<65536x256xf32, #tpu.memory_space<hbm>> -> memref<32x256xf32, #tpu.memory_space<hbm>>
    tpu.enqueue_dma source(%dma_start3A_18 : memref<32x256xf32, #tpu.memory_space<hbm>>) target(%arg6 : memref<32x256xf32, #tpu.memory_space<vmem>>) target_semaphore(%arg19 : memref<!tpu.dma_semaphore, #tpu.memory_space<semaphore_mem>>)
    %add3A_19 = arith.constant 32 : i32
    %add3A_20 = arith.addi %mul3A_2, %add3A_19 : i32
    %dma_start3A_21 = arith.constant 0 : i32
    %dma_start3A_22 = tpu.memref_slice %arg2[%add3A_20, %dma_start3A_21] : memref<65536x256xf32, #tpu.memory_space<hbm>> -> memref<32x256xf32, #tpu.memory_space<hbm>>
    %dma_start3A_23 = arith.constant 0 : i32
    %dma_start3A_24 = tpu.memref_slice %arg2[%add3A_20, %dma_start3A_23] : memref<65536x256xf32, #tpu.memory_space<hbm>> -> memref<32x256xf32, #tpu.memory_space<hbm>>
    tpu.enqueue_dma source(%dma_start3A_24 : memref<32x256xf32, #tpu.memory_space<hbm>>) target(%arg7 : memref<32x256xf32, #tpu.memory_space<vmem>>) target_semaphore(%arg20 : memref<!tpu.dma_semaphore, #tpu.memory_space<semaphore_mem>>)
    %add3A_25 = arith.constant 64 : i32
    %add3A_26 = arith.addi %mul3A_2, %add3A_25 : i32
    %dma_start3A_27 = arith.constant 0 : i32
    %dma_start3A_28 = tpu.memref_slice %arg2[%add3A_26, %dma_start3A_27] : memref<65536x256xf32, #tpu.memory_space<hbm>> -> memref<32x256xf32, #tpu.memory_space<hbm>>
    %dma_start3A_29 = arith.constant 0 : i32
    %dma_start3A_30 = tpu.memref_slice %arg2[%add3A_26, %dma_start3A_29] : memref<65536x256xf32, #tpu.memory_space<hbm>> -> memref<32x256xf32, #tpu.memory_space<hbm>>
    tpu.enqueue_dma source(%dma_start3A_30 : memref<32x256xf32, #tpu.memory_space<hbm>>) target(%arg8 : memref<32x256xf32, #tpu.memory_space<vmem>>) target_semaphore(%arg21 : memref<!tpu.dma_semaphore, #tpu.memory_space<semaphore_mem>>)
    %add3A_31 = arith.constant 96 : i32
    %add3A_32 = arith.addi %mul3A_2, %add3A_31 : i32
    %dma_start3A_33 = arith.constant 0 : i32
    %dma_start3A_34 = tpu.memref_slice %arg2[%add3A_32, %dma_start3A_33] : memref<65536x256xf32, #tpu.memory_space<hbm>> -> memref<32x256xf32, #tpu.memory_space<hbm>>
    %dma_start3A_35 = arith.constant 0 : i32
    %dma_start3A_36 = tpu.memref_slice %arg2[%add3A_32, %dma_start3A_35] : memref<65536x256xf32, #tpu.memory_space<hbm>> -> memref<32x256xf32, #tpu.memory_space<hbm>>
    tpu.enqueue_dma source(%dma_start3A_36 : memref<32x256xf32, #tpu.memory_space<hbm>>) target(%arg9 : memref<32x256xf32, #tpu.memory_space<vmem>>) target_semaphore(%arg22 : memref<!tpu.dma_semaphore, #tpu.memory_space<semaphore_mem>>)
    %scan3A_37 = arith.constant 0 : i32
    %scan3A_38 = arith.constant 0 : i32
    %scan3A_39 = arith.constant 16 : i32
    %scan3A_40 = arith.addi %scan3A_38, %scan3A_39 : i32
    %scan3A_41 = arith.constant 1 : i32
    %scan3A_42 = scf.for %scan3A_83 = %scan3A_38 to %scan3A_40 step %scan3A_41 iter_args(%scan3A_84 = %scan3A_37) -> (i32)  : i32 {
      %mul3A_85 = arith.constant 4 : i32
      %mul3A_86 = arith.muli %scan3A_83, %mul3A_85 : i32
      %add3A_87 = arith.constant 0 : i32
      %add3A_88 = arith.addi %mul3A_86, %add3A_87 : i32
      %mul3A_89 = arith.constant 32 : i32
      %mul3A_90 = arith.muli %add3A_88, %mul3A_89 : i32
      %add3A_91 = arith.addi %mul3A_2, %mul3A_90 : i32
      %dma_wait3A_92 = arith.constant 0 : i32
      %dma_wait3A_93 = tpu.memref_slice %arg2[%add3A_91, %dma_wait3A_92] : memref<65536x256xf32, #tpu.memory_space<hbm>> -> memref<32x256xf32, #tpu.memory_space<hbm>>
      %dma_wait3A_94 = arith.constant 0 : i32
      %dma_wait3A_95 = tpu.memref_slice %arg2[%add3A_91, %dma_wait3A_94] : memref<65536x256xf32, #tpu.memory_space<hbm>> -> memref<32x256xf32, #tpu.memory_space<hbm>>
      tpu.wait_dma2 semaphore(%arg19 : memref<!tpu.dma_semaphore, #tpu.memory_space<semaphore_mem>>) src(%dma_wait3A_95 : memref<32x256xf32, #tpu.memory_space<hbm>>) dst(%arg6 : memref<32x256xf32, #tpu.memory_space<vmem>>)
      %ge3A = arith.constant 4 : i32
      %ge3A_96 = arith.cmpi sge, %add3A_88, %ge3A : i32
      %convert_element_type3A = arith.extui %ge3A_96 : i1 to i32
      %cond3A = arith.constant 0 : i32
      %cond3A_97 = arith.cmpi ne, %convert_element_type3A, %cond3A : i32
      scf.if %cond3A_97 {
        %sub3A = arith.constant 4 : i32
        %sub3A_246 = arith.subi %add3A_88, %sub3A : i32
        %mul3A_247 = arith.constant 32 : i32
        %mul3A_248 = arith.muli %sub3A_246, %mul3A_247 : i32
        %add3A_249 = arith.addi %mul3A_2, %mul3A_248 : i32
        %dma_wait3A_250 = arith.constant 0 : i32
        %dma_wait3A_251 = tpu.memref_slice %arg4[%add3A_249, %dma_wait3A_250] : memref<65536x256xf32, #tpu.memory_space<hbm>> -> memref<32x256xf32, #tpu.memory_space<hbm>>
        %dma_wait3A_252 = arith.constant 0 : i32
        %dma_wait3A_253 = tpu.memref_slice %arg4[%add3A_249, %dma_wait3A_252] : memref<65536x256xf32, #tpu.memory_space<hbm>> -> memref<32x256xf32, #tpu.memory_space<hbm>>
        tpu.wait_dma2 semaphore(%arg23 : memref<!tpu.dma_semaphore, #tpu.memory_space<semaphore_mem>>) src(%arg10 : memref<32x256xf32, #tpu.memory_space<vmem>>) dst(%dma_wait3A_253 : memref<32x256xf32, #tpu.memory_space<hbm>>)
        %dma_wait3A_254 = arith.constant 0 : i32
        %dma_wait3A_255 = tpu.memref_slice %arg5[%add3A_249, %dma_wait3A_254] : memref<65536x8xf32, #tpu.memory_space<hbm>> -> memref<32x8xf32, #tpu.memory_space<hbm>>
        %dma_wait3A_256 = arith.constant 0 : i32
        %dma_wait3A_257 = tpu.memref_slice %arg5[%add3A_249, %dma_wait3A_256] : memref<65536x8xf32, #tpu.memory_space<hbm>> -> memref<32x8xf32, #tpu.memory_space<hbm>>
        tpu.wait_dma2 semaphore(%arg27 : memref<!tpu.dma_semaphore, #tpu.memory_space<semaphore_mem>>) src(%arg14 : memref<32x8xf32, #tpu.memory_space<vmem>>) dst(%dma_wait3A_257 : memref<32x8xf32, #tpu.memory_space<hbm>>)
      } else {
      }
      %scan3A_98 = arith.constant 0 : i32
      %scan3A_99 = arith.constant 0 : i32
      %scan3A_100 = arith.constant 2 : i32
      %scan3A_101 = arith.addi %scan3A_99, %scan3A_100 : i32
      %scan3A_102 = arith.constant 1 : i32
      %scan3A_103 = scf.for %scan3A_246 = %scan3A_99 to %scan3A_101 step %scan3A_102 iter_args(%scan3A_247 = %scan3A_98) -> (i32)  : i32 {
        %mul3A_248 = arith.constant 16 : i32
        %mul3A_249 = arith.muli %scan3A_246, %mul3A_248 : i32
        %add3A_250 = vector.broadcast %mul3A_249 : i32 to vector<16xi32>
        %add3A_251 = arith.addi %add3A_250, %iota3A : vector<16xi32>
        %broadcast_in_dim3A_252 = arith.constant 0 : i32
        %broadcast_in_dim3A_253 = vector.broadcast %broadcast_in_dim3A_252 : i32 to vector<16xi32>
        %gather3A = tpu.vector_load_idx %arg6[%add3A_251, %broadcast_in_dim3A_253] : memref<32x256xf32, #tpu.memory_space<vmem>>[vector<16xi32>, vector<16xi32>], vector<16xf32>,
        %broadcast_in_dim3A_254 = arith.constant 17 : i32
        %broadcast_in_dim3A_255 = vector.broadcast %broadcast_in_dim3A_254 : i32 to vector<16xi32>
        %gather3A_256 = tpu.vector_load_idx %arg6[%add3A_251, %broadcast_in_dim3A_255] : memref<32x256xf32, #tpu.memory_space<vmem>>[vector<16xi32>, vector<16xi32>], vector<16xf32>,
        %broadcast_in_dim3A_257 = arith.constant 42 : i32
        %broadcast_in_dim3A_258 = vector.broadcast %broadcast_in_dim3A_257 : i32 to vector<16xi32>
        %gather3A_259 = tpu.vector_load_idx %arg6[%add3A_251, %broadcast_in_dim3A_258] : memref<32x256xf32, #tpu.memory_space<vmem>>[vector<16xi32>, vector<16xi32>], vector<16xf32>,
        %broadcast_in_dim3A_260 = arith.constant 100 : i32
        %broadcast_in_dim3A_261 = vector.broadcast %broadcast_in_dim3A_260 : i32 to vector<16xi32>
        %gather3A_262 = tpu.vector_load_idx %arg6[%add3A_251, %broadcast_in_dim3A_261] : memref<32x256xf32, #tpu.memory_space<vmem>>[vector<16xi32>, vector<16xi32>], vector<16xf32>,
        %broadcast_in_dim3A_263 = arith.constant 128 : i32
        %broadcast_in_dim3A_264 = vector.broadcast %broadcast_in_dim3A_263 : i32 to vector<16xi32>
        %gather3A_265 = tpu.vector_load_idx %arg6[%add3A_251, %broadcast_in_dim3A_264] : memref<32x256xf32, #tpu.memory_space<vmem>>[vector<16xi32>, vector<16xi32>], vector<16xf32>,
        %broadcast_in_dim3A_266 = arith.constant 200 : i32
        %broadcast_in_dim3A_267 = vector.broadcast %broadcast_in_dim3A_266 : i32 to vector<16xi32>
        %gather3A_268 = tpu.vector_load_idx %arg6[%add3A_251, %broadcast_in_dim3A_267] : memref<32x256xf32, #tpu.memory_space<vmem>>[vector<16xi32>, vector<16xi32>], vector<16xf32>,
        %broadcast_in_dim3A_269 = arith.constant 255 : i32
        %broadcast_in_dim3A_270 = vector.broadcast %broadcast_in_dim3A_269 : i32 to vector<16xi32>
        %gather3A_271 = tpu.vector_load_idx %arg6[%add3A_251, %broadcast_in_dim3A_270] : memref<32x256xf32, #tpu.memory_space<vmem>>[vector<16xi32>, vector<16xi32>], vector<16xf32>,
        %broadcast_in_dim3A_272 = arith.constant 60 : i32
        %broadcast_in_dim3A_273 = vector.broadcast %broadcast_in_dim3A_272 : i32 to vector<16xi32>
        %gather3A_274 = tpu.vector_load_idx %arg6[%add3A_251, %broadcast_in_dim3A_273] : memref<32x256xf32, #tpu.memory_space<vmem>>[vector<16xi32>, vector<16xi32>], vector<16xf32>,
        %mul3A_275 = arith.constant -1.000000e+00 : f32
        %mul3A_276 = vector.broadcast %mul3A_275 : f32 to vector<16xf32>
        %mul3A_277 = arith.mulf %gather3A, %mul3A_276 : vector<16xf32>
        %mul3A_278 = arith.constant 1.000000e+00 : f32
        %mul3A_279 = vector.broadcast %mul3A_278 : f32 to vector<16xf32>
        %mul3A_280 = arith.mulf %gather3A_256, %mul3A_279 : vector<16xf32>
        %mul3A_281 = arith.constant -1.000000e+00 : f32
        %mul3A_282 = vector.broadcast %mul3A_281 : f32 to vector<16xf32>
        %mul3A_283 = arith.mulf %gather3A_259, %mul3A_282 : vector<16xf32>
        %mul3A_284 = arith.constant 1.000000e+00 : f32
        %mul3A_285 = vector.broadcast %mul3A_284 : f32 to vector<16xf32>
        %mul3A_286 = arith.mulf %gather3A_262, %mul3A_285 : vector<16xf32>
        %mul3A_287 = arith.constant -1.000000e+00 : f32
        %mul3A_288 = vector.broadcast %mul3A_287 : f32 to vector<16xf32>
        %mul3A_289 = arith.mulf %gather3A_265, %mul3A_288 : vector<16xf32>
        %mul3A_290 = arith.constant 1.000000e+00 : f32
        %mul3A_291 = vector.broadcast %mul3A_290 : f32 to vector<16xf32>
        %mul3A_292 = arith.mulf %gather3A_268, %mul3A_291 : vector<16xf32>
        %mul3A_293 = arith.constant -1.000000e+00 : f32
        %mul3A_294 = vector.broadcast %mul3A_293 : f32 to vector<16xf32>
        %mul3A_295 = arith.mulf %gather3A_271, %mul3A_294 : vector<16xf32>
        %mul3A_296 = arith.constant 1.000000e+00 : f32
        %mul3A_297 = vector.broadcast %mul3A_296 : f32 to vector<16xf32>
        %mul3A_298 = arith.mulf %gather3A_274, %mul3A_297 : vector<16xf32>
        %max3A_299 = arith.maximumf %mul3A_277, %mul3A_280 : vector<16xf32>
        %max3A_300 = arith.maximumf %max3A_299, %mul3A_283 : vector<16xf32>
        %max3A_301 = arith.maximumf %max3A_300, %mul3A_286 : vector<16xf32>
        %max3A_302 = arith.maximumf %max3A_301, %mul3A_289 : vector<16xf32>
        %max3A_303 = arith.maximumf %max3A_302, %mul3A_292 : vector<16xf32>
        %max3A_304 = arith.maximumf %max3A_303, %mul3A_295 : vector<16xf32>
        %max3A_305 = arith.maximumf %max3A_304, %mul3A_298 : vector<16xf32>
        %sub3A = arith.subf %mul3A_277, %max3A_305 : vector<16xf32>
        %exp3A = math.exp %sub3A : vector<16xf32>
        %sub3A_306 = arith.subf %mul3A_280, %max3A_305 : vector<16xf32>
        %exp3A_307 = math.exp %sub3A_306 : vector<16xf32>
        %sub3A_308 = arith.subf %mul3A_283, %max3A_305 : vector<16xf32>
        %exp3A_309 = math.exp %sub3A_308 : vector<16xf32>
        %sub3A_310 = arith.subf %mul3A_286, %max3A_305 : vector<16xf32>
        %exp3A_311 = math.exp %sub3A_310 : vector<16xf32>
        %sub3A_312 = arith.subf %mul3A_289, %max3A_305 : vector<16xf32>
        %exp3A_313 = math.exp %sub3A_312 : vector<16xf32>
        %sub3A_314 = arith.subf %mul3A_292, %max3A_305 : vector<16xf32>
        %exp3A_315 = math.exp %sub3A_314 : vector<16xf32>
        %sub3A_316 = arith.subf %mul3A_295, %max3A_305 : vector<16xf32>
        %exp3A_317 = math.exp %sub3A_316 : vector<16xf32>
        %sub3A_318 = arith.subf %mul3A_298, %max3A_305 : vector<16xf32>
        %exp3A_319 = math.exp %sub3A_318 : vector<16xf32>
        %add3A_320 = arith.addf %exp3A, %exp3A_307 : vector<16xf32>
        %add3A_321 = arith.addf %add3A_320, %exp3A_309 : vector<16xf32>
        %add3A_322 = arith.addf %add3A_321, %exp3A_311 : vector<16xf32>
        %add3A_323 = arith.addf %add3A_322, %exp3A_313 : vector<16xf32>
        %add3A_324 = arith.addf %add3A_323, %exp3A_315 : vector<16xf32>
        %add3A_325 = arith.addf %add3A_324, %exp3A_317 : vector<16xf32>
        %add3A_326 = arith.addf %add3A_325, %exp3A_319 : vector<16xf32>
        %div3A = arith.divf %min3A_6, %add3A_326 : vector<16xf32>
        %mul3A_327 = arith.mulf %exp3A, %div3A : vector<16xf32>
        %mul3A_328 = arith.constant -1.000000e+00 : f32
        %mul3A_329 = vector.broadcast %mul3A_328 : f32 to vector<16xf32>
        %mul3A_330 = arith.mulf %mul3A_327, %mul3A_329 : vector<16xf32>
        %broadcast_in_dim3A_331 = arith.constant 0 : i32
        %broadcast_in_dim3A_332 = vector.broadcast %broadcast_in_dim3A_331 : i32 to vector<16xi32>
        tpu.vector_store_idx %arg10[%add3A_251, %broadcast_in_dim3A_332], %mul3A_330 : memref<32x256xf32, #tpu.memory_space<vmem>>[vector<16xi32>, vector<16xi32>], vector<16xf32>,
        %broadcast_in_dim3A_333 = arith.constant 0 : i32
        %broadcast_in_dim3A_334 = vector.broadcast %broadcast_in_dim3A_333 : i32 to vector<16xi32>
        tpu.vector_store_idx %arg14[%add3A_251, %broadcast_in_dim3A_334], %mul3A_330 : memref<32x8xf32, #tpu.memory_space<vmem>>[vector<16xi32>, vector<16xi32>], vector<16xf32>,
        %mul3A_335 = arith.mulf %exp3A_307, %div3A : vector<16xf32>
        %mul3A_336 = arith.constant 1.000000e+00 : f32
        %mul3A_337 = vector.broadcast %mul3A_336 : f32 to vector<16xf32>
        %mul3A_338 = arith.mulf %mul3A_335, %mul3A_337 : vector<16xf32>
        %broadcast_in_dim3A_339 = arith.constant 17 : i32
        %broadcast_in_dim3A_340 = vector.broadcast %broadcast_in_dim3A_339 : i32 to vector<16xi32>
        tpu.vector_store_idx %arg10[%add3A_251, %broadcast_in_dim3A_340], %mul3A_338 : memref<32x256xf32, #tpu.memory_space<vmem>>[vector<16xi32>, vector<16xi32>], vector<16xf32>,
        %broadcast_in_dim3A_341 = arith.constant 1 : i32
        %broadcast_in_dim3A_342 = vector.broadcast %broadcast_in_dim3A_341 : i32 to vector<16xi32>
        tpu.vector_store_idx %arg14[%add3A_251, %broadcast_in_dim3A_342], %mul3A_338 : memref<32x8xf32, #tpu.memory_space<vmem>>[vector<16xi32>, vector<16xi32>], vector<16xf32>,
        %mul3A_343 = arith.mulf %exp3A_309, %div3A : vector<16xf32>
        %mul3A_344 = arith.constant -1.000000e+00 : f32
        %mul3A_345 = vector.broadcast %mul3A_344 : f32 to vector<16xf32>
        %mul3A_346 = arith.mulf %mul3A_343, %mul3A_345 : vector<16xf32>
        %broadcast_in_dim3A_347 = arith.constant 42 : i32
        %broadcast_in_dim3A_348 = vector.broadcast %broadcast_in_dim3A_347 : i32 to vector<16xi32>
        tpu.vector_store_idx %arg10[%add3A_251, %broadcast_in_dim3A_348], %mul3A_346 : memref<32x256xf32, #tpu.memory_space<vmem>>[vector<16xi32>, vector<16xi32>], vector<16xf32>,
        %broadcast_in_dim3A_349 = arith.constant 2 : i32
        %broadcast_in_dim3A_350 = vector.broadcast %broadcast_in_dim3A_349 : i32 to vector<16xi32>
        tpu.vector_store_idx %arg14[%add3A_251, %broadcast_in_dim3A_350], %mul3A_346 : memref<32x8xf32, #tpu.memory_space<vmem>>[vector<16xi32>, vector<16xi32>], vector<16xf32>,
        %mul3A_351 = arith.mulf %exp3A_311, %div3A : vector<16xf32>
        %mul3A_352 = arith.constant 1.000000e+00 : f32
        %mul3A_353 = vector.broadcast %mul3A_352 : f32 to vector<16xf32>
        %mul3A_354 = arith.mulf %mul3A_351, %mul3A_353 : vector<16xf32>
        %broadcast_in_dim3A_355 = arith.constant 100 : i32
        %broadcast_in_dim3A_356 = vector.broadcast %broadcast_in_dim3A_355 : i32 to vector<16xi32>
        tpu.vector_store_idx %arg10[%add3A_251, %broadcast_in_dim3A_356], %mul3A_354 : memref<32x256xf32, #tpu.memory_space<vmem>>[vector<16xi32>, vector<16xi32>], vector<16xf32>,
        %broadcast_in_dim3A_357 = arith.constant 3 : i32
        %broadcast_in_dim3A_358 = vector.broadcast %broadcast_in_dim3A_357 : i32 to vector<16xi32>
        tpu.vector_store_idx %arg14[%add3A_251, %broadcast_in_dim3A_358], %mul3A_354 : memref<32x8xf32, #tpu.memory_space<vmem>>[vector<16xi32>, vector<16xi32>], vector<16xf32>,
        %mul3A_359 = arith.mulf %exp3A_313, %div3A : vector<16xf32>
        %mul3A_360 = arith.constant -1.000000e+00 : f32
        %mul3A_361 = vector.broadcast %mul3A_360 : f32 to vector<16xf32>
        %mul3A_362 = arith.mulf %mul3A_359, %mul3A_361 : vector<16xf32>
        %broadcast_in_dim3A_363 = arith.constant 128 : i32
        %broadcast_in_dim3A_364 = vector.broadcast %broadcast_in_dim3A_363 : i32 to vector<16xi32>
        tpu.vector_store_idx %arg10[%add3A_251, %broadcast_in_dim3A_364], %mul3A_362 : memref<32x256xf32, #tpu.memory_space<vmem>>[vector<16xi32>, vector<16xi32>], vector<16xf32>,
        %broadcast_in_dim3A_365 = arith.constant 4 : i32
        %broadcast_in_dim3A_366 = vector.broadcast %broadcast_in_dim3A_365 : i32 to vector<16xi32>
        tpu.vector_store_idx %arg14[%add3A_251, %broadcast_in_dim3A_366], %mul3A_362 : memref<32x8xf32, #tpu.memory_space<vmem>>[vector<16xi32>, vector<16xi32>], vector<16xf32>,
        %mul3A_367 = arith.mulf %exp3A_315, %div3A : vector<16xf32>
        %mul3A_368 = arith.constant 1.000000e+00 : f32
        %mul3A_369 = vector.broadcast %mul3A_368 : f32 to vector<16xf32>
        %mul3A_370 = arith.mulf %mul3A_367, %mul3A_369 : vector<16xf32>
        %broadcast_in_dim3A_371 = arith.constant 200 : i32
        %broadcast_in_dim3A_372 = vector.broadcast %broadcast_in_dim3A_371 : i32 to vector<16xi32>
        tpu.vector_store_idx %arg10[%add3A_251, %broadcast_in_dim3A_372], %mul3A_370 : memref<32x256xf32, #tpu.memory_space<vmem>>[vector<16xi32>, vector<16xi32>], vector<16xf32>,
        %broadcast_in_dim3A_373 = arith.constant 5 : i32
        %broadcast_in_dim3A_374 = vector.broadcast %broadcast_in_dim3A_373 : i32 to vector<16xi32>
        tpu.vector_store_idx %arg14[%add3A_251, %broadcast_in_dim3A_374], %mul3A_370 : memref<32x8xf32, #tpu.memory_space<vmem>>[vector<16xi32>, vector<16xi32>], vector<16xf32>,
        %mul3A_375 = arith.mulf %exp3A_317, %div3A : vector<16xf32>
        %mul3A_376 = arith.constant -1.000000e+00 : f32
        %mul3A_377 = vector.broadcast %mul3A_376 : f32 to vector<16xf32>
        %mul3A_378 = arith.mulf %mul3A_375, %mul3A_377 : vector<16xf32>
        %broadcast_in_dim3A_379 = arith.constant 255 : i32
        %broadcast_in_dim3A_380 = vector.broadcast %broadcast_in_dim3A_379 : i32 to vector<16xi32>
        tpu.vector_store_idx %arg10[%add3A_251, %broadcast_in_dim3A_380], %mul3A_378 : memref<32x256xf32, #tpu.memory_space<vmem>>[vector<16xi32>, vector<16xi32>], vector<16xf32>,
        %broadcast_in_dim3A_381 = arith.constant 6 : i32
        %broadcast_in_dim3A_382 = vector.broadcast %broadcast_in_dim3A_381 : i32 to vector<16xi32>
        tpu.vector_store_idx %arg14[%add3A_251, %broadcast_in_dim3A_382], %mul3A_378 : memref<32x8xf32, #tpu.memory_space<vmem>>[vector<16xi32>, vector<16xi32>], vector<16xf32>,
        %mul3A_383 = arith.mulf %exp3A_319, %div3A : vector<16xf32>
        %mul3A_384 = arith.constant 1.000000e+00 : f32
        %mul3A_385 = vector.broadcast %mul3A_384 : f32 to vector<16xf32>
        %mul3A_386 = arith.mulf %mul3A_383, %mul3A_385 : vector<16xf32>
        %broadcast_in_dim3A_387 = arith.constant 60 : i32
        %broadcast_in_dim3A_388 = vector.broadcast %broadcast_in_dim3A_387 : i32 to vector<16xi32>
        tpu.vector_store_idx %arg10[%add3A_251, %broadcast_in_dim3A_388], %mul3A_386 : memref<32x256xf32, #tpu.memory_space<vmem>>[vector<16xi32>, vector<16xi32>], vector<16xf32>,
        %broadcast_in_dim3A_389 = arith.constant 7 : i32
        %broadcast_in_dim3A_390 = vector.broadcast %broadcast_in_dim3A_389 : i32 to vector<16xi32>
        tpu.vector_store_idx %arg14[%add3A_251, %broadcast_in_dim3A_390], %mul3A_386 : memref<32x8xf32, #tpu.memory_space<vmem>>[vector<16xi32>, vector<16xi32>], vector<16xf32>,
        %scan3A_391 = arith.constant 0 : i32
        scf.yield %scan3A_391 : i32
      }
      %scan3A_104 = arith.constant 2 : i32
      %mul3A_105 = arith.constant 32 : i32
      %mul3A_106 = arith.muli %add3A_88, %mul3A_105 : i32
      %add3A_107 = arith.addi %mul3A_2, %mul3A_106 : i32
      %dma_start3A_108 = arith.constant 0 : i32
      %dma_start3A_109 = tpu.memref_slice %arg4[%add3A_107, %dma_start3A_108] : memref<65536x256xf32, #tpu.memory_space<hbm>> -> memref<32x256xf32, #tpu.memory_space<hbm>>
      %dma_start3A_110 = arith.constant 0 : i32
      %dma_start3A_111 = tpu.memref_slice %arg4[%add3A_107, %dma_start3A_110] : memref<65536x256xf32, #tpu.memory_space<hbm>> -> memref<32x256xf32, #tpu.memory_space<hbm>>
      tpu.enqueue_dma source(%arg10 : memref<32x256xf32, #tpu.memory_space<vmem>>) target(%dma_start3A_111 : memref<32x256xf32, #tpu.memory_space<hbm>>) target_semaphore(%arg23 : memref<!tpu.dma_semaphore, #tpu.memory_space<semaphore_mem>>)
      %dma_start3A_112 = arith.constant 0 : i32
      %dma_start3A_113 = tpu.memref_slice %arg5[%add3A_107, %dma_start3A_112] : memref<65536x8xf32, #tpu.memory_space<hbm>> -> memref<32x8xf32, #tpu.memory_space<hbm>>
      %dma_start3A_114 = arith.constant 0 : i32
      %dma_start3A_115 = tpu.memref_slice %arg5[%add3A_107, %dma_start3A_114] : memref<65536x8xf32, #tpu.memory_space<hbm>> -> memref<32x8xf32, #tpu.memory_space<hbm>>
      tpu.enqueue_dma source(%arg14 : memref<32x8xf32, #tpu.memory_space<vmem>>) target(%dma_start3A_115 : memref<32x8xf32, #tpu.memory_space<hbm>>) target_semaphore(%arg27 : memref<!tpu.dma_semaphore, #tpu.memory_space<semaphore_mem>>)
      %add3A_116 = arith.constant 4 : i32
      %add3A_117 = arith.addi %add3A_88, %add3A_116 : i32
      %lt3A = arith.constant 64 : i32
      %lt3A_118 = arith.cmpi slt, %add3A_117, %lt3A : i32
      %convert_element_type3A_119 = arith.extui %lt3A_118 : i1 to i32
      %cond3A_120 = arith.constant 0 : i32
      %cond3A_121 = arith.cmpi ne, %convert_element_type3A_119, %cond3A_120 : i32
      scf.if %cond3A_121 {
        %add3A_246 = arith.constant 4 : i32
        %add3A_247 = arith.addi %add3A_88, %add3A_246 : i32
        %mul3A_248 = arith.constant 32 : i32
        %mul3A_249 = arith.muli %add3A_247, %mul3A_248 : i32
        %add3A_250 = arith.addi %mul3A_2, %mul3A_249 : i32
        %dma_start3A_251 = arith.constant 0 : i32
        %dma_start3A_252 = tpu.memref_slice %arg2[%add3A_250, %dma_start3A_251] : memref<65536x256xf32, #tpu.memory_space<hbm>> -> memref<32x256xf32, #tpu.memory_space<hbm>>
        %dma_start3A_253 = arith.constant 0 : i32
        %dma_start3A_254 = tpu.memref_slice %arg2[%add3A_250, %dma_start3A_253] : memref<65536x256xf32, #tpu.memory_space<hbm>> -> memref<32x256xf32, #tpu.memory_space<hbm>>
        tpu.enqueue_dma source(%dma_start3A_254 : memref<32x256xf32, #tpu.memory_space<hbm>>) target(%arg6 : memref<32x256xf32, #tpu.memory_space<vmem>>) target_semaphore(%arg19 : memref<!tpu.dma_semaphore, #tpu.memory_space<semaphore_mem>>)
      } else {
      }
      %mul3A_122 = arith.constant 4 : i32
      %mul3A_123 = arith.muli %scan3A_83, %mul3A_122 : i32
      %add3A_124 = arith.constant 1 : i32
      %add3A_125 = arith.addi %mul3A_123, %add3A_124 : i32
      %mul3A_126 = arith.constant 32 : i32
      %mul3A_127 = arith.muli %add3A_125, %mul3A_126 : i32
      %add3A_128 = arith.addi %mul3A_2, %mul3A_127 : i32
      %dma_wait3A_129 = arith.constant 0 : i32
      %dma_wait3A_130 = tpu.memref_slice %arg2[%add3A_128, %dma_wait3A_129] : memref<65536x256xf32, #tpu.memory_space<hbm>> -> memref<32x256xf32, #tpu.memory_space<hbm>>
      %dma_wait3A_131 = arith.constant 0 : i32
      %dma_wait3A_132 = tpu.memref_slice %arg2[%add3A_128, %dma_wait3A_131] : memref<65536x256xf32, #tpu.memory_space<hbm>> -> memref<32x256xf32, #tpu.memory_space<hbm>>
      tpu.wait_dma2 semaphore(%arg20 : memref<!tpu.dma_semaphore, #tpu.memory_space<semaphore_mem>>) src(%dma_wait3A_132 : memref<32x256xf32, #tpu.memory_space<hbm>>) dst(%arg7 : memref<32x256xf32, #tpu.memory_space<vmem>>)
      %ge3A_133 = arith.constant 4 : i32
      %ge3A_134 = arith.cmpi sge, %add3A_125, %ge3A_133 : i32
      %convert_element_type3A_135 = arith.extui %ge3A_134 : i1 to i32
      %cond3A_136 = arith.constant 0 : i32
      %cond3A_137 = arith.cmpi ne, %convert_element_type3A_135, %cond3A_136 : i32
      scf.if %cond3A_137 {
        %sub3A = arith.constant 4 : i32
        %sub3A_246 = arith.subi %add3A_125, %sub3A : i32
        %mul3A_247 = arith.constant 32 : i32
        %mul3A_248 = arith.muli %sub3A_246, %mul3A_247 : i32
        %add3A_249 = arith.addi %mul3A_2, %mul3A_248 : i32
        %dma_wait3A_250 = arith.constant 0 : i32
        %dma_wait3A_251 = tpu.memref_slice %arg4[%add3A_249, %dma_wait3A_250] : memref<65536x256xf32, #tpu.memory_space<hbm>> -> memref<32x256xf32, #tpu.memory_space<hbm>>
        %dma_wait3A_252 = arith.constant 0 : i32
        %dma_wait3A_253 = tpu.memref_slice %arg4[%add3A_249, %dma_wait3A_252] : memref<65536x256xf32, #tpu.memory_space<hbm>> -> memref<32x256xf32, #tpu.memory_space<hbm>>
        tpu.wait_dma2 semaphore(%arg24 : memref<!tpu.dma_semaphore, #tpu.memory_space<semaphore_mem>>) src(%arg11 : memref<32x256xf32, #tpu.memory_space<vmem>>) dst(%dma_wait3A_253 : memref<32x256xf32, #tpu.memory_space<hbm>>)
        %dma_wait3A_254 = arith.constant 0 : i32
        %dma_wait3A_255 = tpu.memref_slice %arg5[%add3A_249, %dma_wait3A_254] : memref<65536x8xf32, #tpu.memory_space<hbm>> -> memref<32x8xf32, #tpu.memory_space<hbm>>
        %dma_wait3A_256 = arith.constant 0 : i32
        %dma_wait3A_257 = tpu.memref_slice %arg5[%add3A_249, %dma_wait3A_256] : memref<65536x8xf32, #tpu.memory_space<hbm>> -> memref<32x8xf32, #tpu.memory_space<hbm>>
        tpu.wait_dma2 semaphore(%arg28 : memref<!tpu.dma_semaphore, #tpu.memory_space<semaphore_mem>>) src(%arg15 : memref<32x8xf32, #tpu.memory_space<vmem>>) dst(%dma_wait3A_257 : memref<32x8xf32, #tpu.memory_space<hbm>>)
      } else {
      }
      %scan3A_138 = arith.constant 0 : i32
      %scan3A_139 = arith.constant 0 : i32
      %scan3A_140 = arith.constant 2 : i32
      %scan3A_141 = arith.addi %scan3A_139, %scan3A_140 : i32
      %scan3A_142 = arith.constant 1 : i32
      %scan3A_143 = scf.for %scan3A_246 = %scan3A_139 to %scan3A_141 step %scan3A_142 iter_args(%scan3A_247 = %scan3A_138) -> (i32)  : i32 {
        %mul3A_248 = arith.constant 16 : i32
        %mul3A_249 = arith.muli %scan3A_246, %mul3A_248 : i32
        %add3A_250 = vector.broadcast %mul3A_249 : i32 to vector<16xi32>
        %add3A_251 = arith.addi %add3A_250, %iota3A : vector<16xi32>
        %broadcast_in_dim3A_252 = arith.constant 0 : i32
        %broadcast_in_dim3A_253 = vector.broadcast %broadcast_in_dim3A_252 : i32 to vector<16xi32>
        %gather3A = tpu.vector_load_idx %arg7[%add3A_251, %broadcast_in_dim3A_253] : memref<32x256xf32, #tpu.memory_space<vmem>>[vector<16xi32>, vector<16xi32>], vector<16xf32>,
        %broadcast_in_dim3A_254 = arith.constant 17 : i32
        %broadcast_in_dim3A_255 = vector.broadcast %broadcast_in_dim3A_254 : i32 to vector<16xi32>
        %gather3A_256 = tpu.vector_load_idx %arg7[%add3A_251, %broadcast_in_dim3A_255] : memref<32x256xf32, #tpu.memory_space<vmem>>[vector<16xi32>, vector<16xi32>], vector<16xf32>,
        %broadcast_in_dim3A_257 = arith.constant 42 : i32
        %broadcast_in_dim3A_258 = vector.broadcast %broadcast_in_dim3A_257 : i32 to vector<16xi32>
        %gather3A_259 = tpu.vector_load_idx %arg7[%add3A_251, %broadcast_in_dim3A_258] : memref<32x256xf32, #tpu.memory_space<vmem>>[vector<16xi32>, vector<16xi32>], vector<16xf32>,
        %broadcast_in_dim3A_260 = arith.constant 100 : i32
        %broadcast_in_dim3A_261 = vector.broadcast %broadcast_in_dim3A_260 : i32 to vector<16xi32>
        %gather3A_262 = tpu.vector_load_idx %arg7[%add3A_251, %broadcast_in_dim3A_261] : memref<32x256xf32, #tpu.memory_space<vmem>>[vector<16xi32>, vector<16xi32>], vector<16xf32>,
        %broadcast_in_dim3A_263 = arith.constant 128 : i32
        %broadcast_in_dim3A_264 = vector.broadcast %broadcast_in_dim3A_263 : i32 to vector<16xi32>
        %gather3A_265 = tpu.vector_load_idx %arg7[%add3A_251, %broadcast_in_dim3A_264] : memref<32x256xf32, #tpu.memory_space<vmem>>[vector<16xi32>, vector<16xi32>], vector<16xf32>,
        %broadcast_in_dim3A_266 = arith.constant 200 : i32
        %broadcast_in_dim3A_267 = vector.broadcast %broadcast_in_dim3A_266 : i32 to vector<16xi32>
        %gather3A_268 = tpu.vector_load_idx %arg7[%add3A_251, %broadcast_in_dim3A_267] : memref<32x256xf32, #tpu.memory_space<vmem>>[vector<16xi32>, vector<16xi32>], vector<16xf32>,
        %broadcast_in_dim3A_269 = arith.constant 255 : i32
        %broadcast_in_dim3A_270 = vector.broadcast %broadcast_in_dim3A_269 : i32 to vector<16xi32>
        %gather3A_271 = tpu.vector_load_idx %arg7[%add3A_251, %broadcast_in_dim3A_270] : memref<32x256xf32, #tpu.memory_space<vmem>>[vector<16xi32>, vector<16xi32>], vector<16xf32>,
        %broadcast_in_dim3A_272 = arith.constant 60 : i32
        %broadcast_in_dim3A_273 = vector.broadcast %broadcast_in_dim3A_272 : i32 to vector<16xi32>
        %gather3A_274 = tpu.vector_load_idx %arg7[%add3A_251, %broadcast_in_dim3A_273] : memref<32x256xf32, #tpu.memory_space<vmem>>[vector<16xi32>, vector<16xi32>], vector<16xf32>,
        %mul3A_275 = arith.constant -1.000000e+00 : f32
        %mul3A_276 = vector.broadcast %mul3A_275 : f32 to vector<16xf32>
        %mul3A_277 = arith.mulf %gather3A, %mul3A_276 : vector<16xf32>
        %mul3A_278 = arith.constant 1.000000e+00 : f32
        %mul3A_279 = vector.broadcast %mul3A_278 : f32 to vector<16xf32>
        %mul3A_280 = arith.mulf %gather3A_256, %mul3A_279 : vector<16xf32>
        %mul3A_281 = arith.constant -1.000000e+00 : f32
        %mul3A_282 = vector.broadcast %mul3A_281 : f32 to vector<16xf32>
        %mul3A_283 = arith.mulf %gather3A_259, %mul3A_282 : vector<16xf32>
        %mul3A_284 = arith.constant 1.000000e+00 : f32
        %mul3A_285 = vector.broadcast %mul3A_284 : f32 to vector<16xf32>
        %mul3A_286 = arith.mulf %gather3A_262, %mul3A_285 : vector<16xf32>
        %mul3A_287 = arith.constant -1.000000e+00 : f32
        %mul3A_288 = vector.broadcast %mul3A_287 : f32 to vector<16xf32>
        %mul3A_289 = arith.mulf %gather3A_265, %mul3A_288 : vector<16xf32>
        %mul3A_290 = arith.constant 1.000000e+00 : f32
        %mul3A_291 = vector.broadcast %mul3A_290 : f32 to vector<16xf32>
        %mul3A_292 = arith.mulf %gather3A_268, %mul3A_291 : vector<16xf32>
        %mul3A_293 = arith.constant -1.000000e+00 : f32
        %mul3A_294 = vector.broadcast %mul3A_293 : f32 to vector<16xf32>
        %mul3A_295 = arith.mulf %gather3A_271, %mul3A_294 : vector<16xf32>
        %mul3A_296 = arith.constant 1.000000e+00 : f32
        %mul3A_297 = vector.broadcast %mul3A_296 : f32 to vector<16xf32>
        %mul3A_298 = arith.mulf %gather3A_274, %mul3A_297 : vector<16xf32>
        %max3A_299 = arith.maximumf %mul3A_277, %mul3A_280 : vector<16xf32>
        %max3A_300 = arith.maximumf %max3A_299, %mul3A_283 : vector<16xf32>
        %max3A_301 = arith.maximumf %max3A_300, %mul3A_286 : vector<16xf32>
        %max3A_302 = arith.maximumf %max3A_301, %mul3A_289 : vector<16xf32>
        %max3A_303 = arith.maximumf %max3A_302, %mul3A_292 : vector<16xf32>
        %max3A_304 = arith.maximumf %max3A_303, %mul3A_295 : vector<16xf32>
        %max3A_305 = arith.maximumf %max3A_304, %mul3A_298 : vector<16xf32>
        %sub3A = arith.subf %mul3A_277, %max3A_305 : vector<16xf32>
        %exp3A = math.exp %sub3A : vector<16xf32>
        %sub3A_306 = arith.subf %mul3A_280, %max3A_305 : vector<16xf32>
        %exp3A_307 = math.exp %sub3A_306 : vector<16xf32>
        %sub3A_308 = arith.subf %mul3A_283, %max3A_305 : vector<16xf32>
        %exp3A_309 = math.exp %sub3A_308 : vector<16xf32>
        %sub3A_310 = arith.subf %mul3A_286, %max3A_305 : vector<16xf32>
        %exp3A_311 = math.exp %sub3A_310 : vector<16xf32>
        %sub3A_312 = arith.subf %mul3A_289, %max3A_305 : vector<16xf32>
        %exp3A_313 = math.exp %sub3A_312 : vector<16xf32>
        %sub3A_314 = arith.subf %mul3A_292, %max3A_305 : vector<16xf32>
        %exp3A_315 = math.exp %sub3A_314 : vector<16xf32>
        %sub3A_316 = arith.subf %mul3A_295, %max3A_305 : vector<16xf32>
        %exp3A_317 = math.exp %sub3A_316 : vector<16xf32>
        %sub3A_318 = arith.subf %mul3A_298, %max3A_305 : vector<16xf32>
        %exp3A_319 = math.exp %sub3A_318 : vector<16xf32>
        %add3A_320 = arith.addf %exp3A, %exp3A_307 : vector<16xf32>
        %add3A_321 = arith.addf %add3A_320, %exp3A_309 : vector<16xf32>
        %add3A_322 = arith.addf %add3A_321, %exp3A_311 : vector<16xf32>
        %add3A_323 = arith.addf %add3A_322, %exp3A_313 : vector<16xf32>
        %add3A_324 = arith.addf %add3A_323, %exp3A_315 : vector<16xf32>
        %add3A_325 = arith.addf %add3A_324, %exp3A_317 : vector<16xf32>
        %add3A_326 = arith.addf %add3A_325, %exp3A_319 : vector<16xf32>
        %div3A = arith.divf %min3A_6, %add3A_326 : vector<16xf32>
        %mul3A_327 = arith.mulf %exp3A, %div3A : vector<16xf32>
        %mul3A_328 = arith.constant -1.000000e+00 : f32
        %mul3A_329 = vector.broadcast %mul3A_328 : f32 to vector<16xf32>
        %mul3A_330 = arith.mulf %mul3A_327, %mul3A_329 : vector<16xf32>
        %broadcast_in_dim3A_331 = arith.constant 0 : i32
        %broadcast_in_dim3A_332 = vector.broadcast %broadcast_in_dim3A_331 : i32 to vector<16xi32>
        tpu.vector_store_idx %arg11[%add3A_251, %broadcast_in_dim3A_332], %mul3A_330 : memref<32x256xf32, #tpu.memory_space<vmem>>[vector<16xi32>, vector<16xi32>], vector<16xf32>,
        %broadcast_in_dim3A_333 = arith.constant 0 : i32
        %broadcast_in_dim3A_334 = vector.broadcast %broadcast_in_dim3A_333 : i32 to vector<16xi32>
        tpu.vector_store_idx %arg15[%add3A_251, %broadcast_in_dim3A_334], %mul3A_330 : memref<32x8xf32, #tpu.memory_space<vmem>>[vector<16xi32>, vector<16xi32>], vector<16xf32>,
        %mul3A_335 = arith.mulf %exp3A_307, %div3A : vector<16xf32>
        %mul3A_336 = arith.constant 1.000000e+00 : f32
        %mul3A_337 = vector.broadcast %mul3A_336 : f32 to vector<16xf32>
        %mul3A_338 = arith.mulf %mul3A_335, %mul3A_337 : vector<16xf32>
        %broadcast_in_dim3A_339 = arith.constant 17 : i32
        %broadcast_in_dim3A_340 = vector.broadcast %broadcast_in_dim3A_339 : i32 to vector<16xi32>
        tpu.vector_store_idx %arg11[%add3A_251, %broadcast_in_dim3A_340], %mul3A_338 : memref<32x256xf32, #tpu.memory_space<vmem>>[vector<16xi32>, vector<16xi32>], vector<16xf32>,
        %broadcast_in_dim3A_341 = arith.constant 1 : i32
        %broadcast_in_dim3A_342 = vector.broadcast %broadcast_in_dim3A_341 : i32 to vector<16xi32>
        tpu.vector_store_idx %arg15[%add3A_251, %broadcast_in_dim3A_342], %mul3A_338 : memref<32x8xf32, #tpu.memory_space<vmem>>[vector<16xi32>, vector<16xi32>], vector<16xf32>,
        %mul3A_343 = arith.mulf %exp3A_309, %div3A : vector<16xf32>
        %mul3A_344 = arith.constant -1.000000e+00 : f32
        %mul3A_345 = vector.broadcast %mul3A_344 : f32 to vector<16xf32>
        %mul3A_346 = arith.mulf %mul3A_343, %mul3A_345 : vector<16xf32>
        %broadcast_in_dim3A_347 = arith.constant 42 : i32
        %broadcast_in_dim3A_348 = vector.broadcast %broadcast_in_dim3A_347 : i32 to vector<16xi32>
        tpu.vector_store_idx %arg11[%add3A_251, %broadcast_in_dim3A_348], %mul3A_346 : memref<32x256xf32, #tpu.memory_space<vmem>>[vector<16xi32>, vector<16xi32>], vector<16xf32>,
        %broadcast_in_dim3A_349 = arith.constant 2 : i32
        %broadcast_in_dim3A_350 = vector.broadcast %broadcast_in_dim3A_349 : i32 to vector<16xi32>
        tpu.vector_store_idx %arg15[%add3A_251, %broadcast_in_dim3A_350], %mul3A_346 : memref<32x8xf32, #tpu.memory_space<vmem>>[vector<16xi32>, vector<16xi32>], vector<16xf32>,
        %mul3A_351 = arith.mulf %exp3A_311, %div3A : vector<16xf32>
        %mul3A_352 = arith.constant 1.000000e+00 : f32
        %mul3A_353 = vector.broadcast %mul3A_352 : f32 to vector<16xf32>
        %mul3A_354 = arith.mulf %mul3A_351, %mul3A_353 : vector<16xf32>
        %broadcast_in_dim3A_355 = arith.constant 100 : i32
        %broadcast_in_dim3A_356 = vector.broadcast %broadcast_in_dim3A_355 : i32 to vector<16xi32>
        tpu.vector_store_idx %arg11[%add3A_251, %broadcast_in_dim3A_356], %mul3A_354 : memref<32x256xf32, #tpu.memory_space<vmem>>[vector<16xi32>, vector<16xi32>], vector<16xf32>,
        %broadcast_in_dim3A_357 = arith.constant 3 : i32
        %broadcast_in_dim3A_358 = vector.broadcast %broadcast_in_dim3A_357 : i32 to vector<16xi32>
        tpu.vector_store_idx %arg15[%add3A_251, %broadcast_in_dim3A_358], %mul3A_354 : memref<32x8xf32, #tpu.memory_space<vmem>>[vector<16xi32>, vector<16xi32>], vector<16xf32>,
        %mul3A_359 = arith.mulf %exp3A_313, %div3A : vector<16xf32>
        %mul3A_360 = arith.constant -1.000000e+00 : f32
        %mul3A_361 = vector.broadcast %mul3A_360 : f32 to vector<16xf32>
        %mul3A_362 = arith.mulf %mul3A_359, %mul3A_361 : vector<16xf32>
        %broadcast_in_dim3A_363 = arith.constant 128 : i32
        %broadcast_in_dim3A_364 = vector.broadcast %broadcast_in_dim3A_363 : i32 to vector<16xi32>
        tpu.vector_store_idx %arg11[%add3A_251, %broadcast_in_dim3A_364], %mul3A_362 : memref<32x256xf32, #tpu.memory_space<vmem>>[vector<16xi32>, vector<16xi32>], vector<16xf32>,
        %broadcast_in_dim3A_365 = arith.constant 4 : i32
        %broadcast_in_dim3A_366 = vector.broadcast %broadcast_in_dim3A_365 : i32 to vector<16xi32>
        tpu.vector_store_idx %arg15[%add3A_251, %broadcast_in_dim3A_366], %mul3A_362 : memref<32x8xf32, #tpu.memory_space<vmem>>[vector<16xi32>, vector<16xi32>], vector<16xf32>,
        %mul3A_367 = arith.mulf %exp3A_315, %div3A : vector<16xf32>
        %mul3A_368 = arith.constant 1.000000e+00 : f32
        %mul3A_369 = vector.broadcast %mul3A_368 : f32 to vector<16xf32>
        %mul3A_370 = arith.mulf %mul3A_367, %mul3A_369 : vector<16xf32>
        %broadcast_in_dim3A_371 = arith.constant 200 : i32
        %broadcast_in_dim3A_372 = vector.broadcast %broadcast_in_dim3A_371 : i32 to vector<16xi32>
        tpu.vector_store_idx %arg11[%add3A_251, %broadcast_in_dim3A_372], %mul3A_370 : memref<32x256xf32, #tpu.memory_space<vmem>>[vector<16xi32>, vector<16xi32>], vector<16xf32>,
        %broadcast_in_dim3A_373 = arith.constant 5 : i32
        %broadcast_in_dim3A_374 = vector.broadcast %broadcast_in_dim3A_373 : i32 to vector<16xi32>
        tpu.vector_store_idx %arg15[%add3A_251, %broadcast_in_dim3A_374], %mul3A_370 : memref<32x8xf32, #tpu.memory_space<vmem>>[vector<16xi32>, vector<16xi32>], vector<16xf32>,
        %mul3A_375 = arith.mulf %exp3A_317, %div3A : vector<16xf32>
        %mul3A_376 = arith.constant -1.000000e+00 : f32
        %mul3A_377 = vector.broadcast %mul3A_376 : f32 to vector<16xf32>
        %mul3A_378 = arith.mulf %mul3A_375, %mul3A_377 : vector<16xf32>
        %broadcast_in_dim3A_379 = arith.constant 255 : i32
        %broadcast_in_dim3A_380 = vector.broadcast %broadcast_in_dim3A_379 : i32 to vector<16xi32>
        tpu.vector_store_idx %arg11[%add3A_251, %broadcast_in_dim3A_380], %mul3A_378 : memref<32x256xf32, #tpu.memory_space<vmem>>[vector<16xi32>, vector<16xi32>], vector<16xf32>,
        %broadcast_in_dim3A_381 = arith.constant 6 : i32
        %broadcast_in_dim3A_382 = vector.broadcast %broadcast_in_dim3A_381 : i32 to vector<16xi32>
        tpu.vector_store_idx %arg15[%add3A_251, %broadcast_in_dim3A_382], %mul3A_378 : memref<32x8xf32, #tpu.memory_space<vmem>>[vector<16xi32>, vector<16xi32>], vector<16xf32>,
        %mul3A_383 = arith.mulf %exp3A_319, %div3A : vector<16xf32>
        %mul3A_384 = arith.constant 1.000000e+00 : f32
        %mul3A_385 = vector.broadcast %mul3A_384 : f32 to vector<16xf32>
        %mul3A_386 = arith.mulf %mul3A_383, %mul3A_385 : vector<16xf32>
        %broadcast_in_dim3A_387 = arith.constant 60 : i32
        %broadcast_in_dim3A_388 = vector.broadcast %broadcast_in_dim3A_387 : i32 to vector<16xi32>
        tpu.vector_store_idx %arg11[%add3A_251, %broadcast_in_dim3A_388], %mul3A_386 : memref<32x256xf32, #tpu.memory_space<vmem>>[vector<16xi32>, vector<16xi32>], vector<16xf32>,
        %broadcast_in_dim3A_389 = arith.constant 7 : i32
        %broadcast_in_dim3A_390 = vector.broadcast %broadcast_in_dim3A_389 : i32 to vector<16xi32>
        tpu.vector_store_idx %arg15[%add3A_251, %broadcast_in_dim3A_390], %mul3A_386 : memref<32x8xf32, #tpu.memory_space<vmem>>[vector<16xi32>, vector<16xi32>], vector<16xf32>,
        %scan3A_391 = arith.constant 0 : i32
        scf.yield %scan3A_391 : i32
      }
      %scan3A_144 = arith.constant 2 : i32
      %mul3A_145 = arith.constant 32 : i32
      %mul3A_146 = arith.muli %add3A_125, %mul3A_145 : i32
      %add3A_147 = arith.addi %mul3A_2, %mul3A_146 : i32
      %dma_start3A_148 = arith.constant 0 : i32
      %dma_start3A_149 = tpu.memref_slice %arg4[%add3A_147, %dma_start3A_148] : memref<65536x256xf32, #tpu.memory_space<hbm>> -> memref<32x256xf32, #tpu.memory_space<hbm>>
      %dma_start3A_150 = arith.constant 0 : i32
      %dma_start3A_151 = tpu.memref_slice %arg4[%add3A_147, %dma_start3A_150] : memref<65536x256xf32, #tpu.memory_space<hbm>> -> memref<32x256xf32, #tpu.memory_space<hbm>>
      tpu.enqueue_dma source(%arg11 : memref<32x256xf32, #tpu.memory_space<vmem>>) target(%dma_start3A_151 : memref<32x256xf32, #tpu.memory_space<hbm>>) target_semaphore(%arg24 : memref<!tpu.dma_semaphore, #tpu.memory_space<semaphore_mem>>)
      %dma_start3A_152 = arith.constant 0 : i32
      %dma_start3A_153 = tpu.memref_slice %arg5[%add3A_147, %dma_start3A_152] : memref<65536x8xf32, #tpu.memory_space<hbm>> -> memref<32x8xf32, #tpu.memory_space<hbm>>
      %dma_start3A_154 = arith.constant 0 : i32
      %dma_start3A_155 = tpu.memref_slice %arg5[%add3A_147, %dma_start3A_154] : memref<65536x8xf32, #tpu.memory_space<hbm>> -> memref<32x8xf32, #tpu.memory_space<hbm>>
      tpu.enqueue_dma source(%arg15 : memref<32x8xf32, #tpu.memory_space<vmem>>) target(%dma_start3A_155 : memref<32x8xf32, #tpu.memory_space<hbm>>) target_semaphore(%arg28 : memref<!tpu.dma_semaphore, #tpu.memory_space<semaphore_mem>>)
      %add3A_156 = arith.constant 4 : i32
      %add3A_157 = arith.addi %add3A_125, %add3A_156 : i32
      %lt3A_158 = arith.constant 64 : i32
      %lt3A_159 = arith.cmpi slt, %add3A_157, %lt3A_158 : i32
      %convert_element_type3A_160 = arith.extui %lt3A_159 : i1 to i32
      %cond3A_161 = arith.constant 0 : i32
      %cond3A_162 = arith.cmpi ne, %convert_element_type3A_160, %cond3A_161 : i32
      scf.if %cond3A_162 {
        %add3A_246 = arith.constant 4 : i32
        %add3A_247 = arith.addi %add3A_125, %add3A_246 : i32
        %mul3A_248 = arith.constant 32 : i32
        %mul3A_249 = arith.muli %add3A_247, %mul3A_248 : i32
        %add3A_250 = arith.addi %mul3A_2, %mul3A_249 : i32
        %dma_start3A_251 = arith.constant 0 : i32
        %dma_start3A_252 = tpu.memref_slice %arg2[%add3A_250, %dma_start3A_251] : memref<65536x256xf32, #tpu.memory_space<hbm>> -> memref<32x256xf32, #tpu.memory_space<hbm>>
        %dma_start3A_253 = arith.constant 0 : i32
        %dma_start3A_254 = tpu.memref_slice %arg2[%add3A_250, %dma_start3A_253] : memref<65536x256xf32, #tpu.memory_space<hbm>> -> memref<32x256xf32, #tpu.memory_space<hbm>>
        tpu.enqueue_dma source(%dma_start3A_254 : memref<32x256xf32, #tpu.memory_space<hbm>>) target(%arg7 : memref<32x256xf32, #tpu.memory_space<vmem>>) target_semaphore(%arg20 : memref<!tpu.dma_semaphore, #tpu.memory_space<semaphore_mem>>)
      } else {
      }
      %mul3A_163 = arith.constant 4 : i32
      %mul3A_164 = arith.muli %scan3A_83, %mul3A_163 : i32
      %add3A_165 = arith.constant 2 : i32
      %add3A_166 = arith.addi %mul3A_164, %add3A_165 : i32
      %mul3A_167 = arith.constant 32 : i32
      %mul3A_168 = arith.muli %add3A_166, %mul3A_167 : i32
      %add3A_169 = arith.addi %mul3A_2, %mul3A_168 : i32
      %dma_wait3A_170 = arith.constant 0 : i32
      %dma_wait3A_171 = tpu.memref_slice %arg2[%add3A_169, %dma_wait3A_170] : memref<65536x256xf32, #tpu.memory_space<hbm>> -> memref<32x256xf32, #tpu.memory_space<hbm>>
      %dma_wait3A_172 = arith.constant 0 : i32
      %dma_wait3A_173 = tpu.memref_slice %arg2[%add3A_169, %dma_wait3A_172] : memref<65536x256xf32, #tpu.memory_space<hbm>> -> memref<32x256xf32, #tpu.memory_space<hbm>>
      tpu.wait_dma2 semaphore(%arg21 : memref<!tpu.dma_semaphore, #tpu.memory_space<semaphore_mem>>) src(%dma_wait3A_173 : memref<32x256xf32, #tpu.memory_space<hbm>>) dst(%arg8 : memref<32x256xf32, #tpu.memory_space<vmem>>)
      %ge3A_174 = arith.constant 4 : i32
      %ge3A_175 = arith.cmpi sge, %add3A_166, %ge3A_174 : i32
      %convert_element_type3A_176 = arith.extui %ge3A_175 : i1 to i32
      %cond3A_177 = arith.constant 0 : i32
      %cond3A_178 = arith.cmpi ne, %convert_element_type3A_176, %cond3A_177 : i32
      scf.if %cond3A_178 {
        %sub3A = arith.constant 4 : i32
        %sub3A_246 = arith.subi %add3A_166, %sub3A : i32
        %mul3A_247 = arith.constant 32 : i32
        %mul3A_248 = arith.muli %sub3A_246, %mul3A_247 : i32
        %add3A_249 = arith.addi %mul3A_2, %mul3A_248 : i32
        %dma_wait3A_250 = arith.constant 0 : i32
        %dma_wait3A_251 = tpu.memref_slice %arg4[%add3A_249, %dma_wait3A_250] : memref<65536x256xf32, #tpu.memory_space<hbm>> -> memref<32x256xf32, #tpu.memory_space<hbm>>
        %dma_wait3A_252 = arith.constant 0 : i32
        %dma_wait3A_253 = tpu.memref_slice %arg4[%add3A_249, %dma_wait3A_252] : memref<65536x256xf32, #tpu.memory_space<hbm>> -> memref<32x256xf32, #tpu.memory_space<hbm>>
        tpu.wait_dma2 semaphore(%arg25 : memref<!tpu.dma_semaphore, #tpu.memory_space<semaphore_mem>>) src(%arg12 : memref<32x256xf32, #tpu.memory_space<vmem>>) dst(%dma_wait3A_253 : memref<32x256xf32, #tpu.memory_space<hbm>>)
        %dma_wait3A_254 = arith.constant 0 : i32
        %dma_wait3A_255 = tpu.memref_slice %arg5[%add3A_249, %dma_wait3A_254] : memref<65536x8xf32, #tpu.memory_space<hbm>> -> memref<32x8xf32, #tpu.memory_space<hbm>>
        %dma_wait3A_256 = arith.constant 0 : i32
        %dma_wait3A_257 = tpu.memref_slice %arg5[%add3A_249, %dma_wait3A_256] : memref<65536x8xf32, #tpu.memory_space<hbm>> -> memref<32x8xf32, #tpu.memory_space<hbm>>
        tpu.wait_dma2 semaphore(%arg29 : memref<!tpu.dma_semaphore, #tpu.memory_space<semaphore_mem>>) src(%arg16 : memref<32x8xf32, #tpu.memory_space<vmem>>) dst(%dma_wait3A_257 : memref<32x8xf32, #tpu.memory_space<hbm>>)
      } else {
      }
      %scan3A_179 = arith.constant 0 : i32
      %scan3A_180 = arith.constant 0 : i32
      %scan3A_181 = arith.constant 2 : i32
      %scan3A_182 = arith.addi %scan3A_180, %scan3A_181 : i32
      %scan3A_183 = arith.constant 1 : i32
      %scan3A_184 = scf.for %scan3A_246 = %scan3A_180 to %scan3A_182 step %scan3A_183 iter_args(%scan3A_247 = %scan3A_179) -> (i32)  : i32 {
        %mul3A_248 = arith.constant 16 : i32
        %mul3A_249 = arith.muli %scan3A_246, %mul3A_248 : i32
        %add3A_250 = vector.broadcast %mul3A_249 : i32 to vector<16xi32>
        %add3A_251 = arith.addi %add3A_250, %iota3A : vector<16xi32>
        %broadcast_in_dim3A_252 = arith.constant 0 : i32
        %broadcast_in_dim3A_253 = vector.broadcast %broadcast_in_dim3A_252 : i32 to vector<16xi32>
        %gather3A = tpu.vector_load_idx %arg8[%add3A_251, %broadcast_in_dim3A_253] : memref<32x256xf32, #tpu.memory_space<vmem>>[vector<16xi32>, vector<16xi32>], vector<16xf32>,
        %broadcast_in_dim3A_254 = arith.constant 17 : i32
        %broadcast_in_dim3A_255 = vector.broadcast %broadcast_in_dim3A_254 : i32 to vector<16xi32>
        %gather3A_256 = tpu.vector_load_idx %arg8[%add3A_251, %broadcast_in_dim3A_255] : memref<32x256xf32, #tpu.memory_space<vmem>>[vector<16xi32>, vector<16xi32>], vector<16xf32>,
        %broadcast_in_dim3A_257 = arith.constant 42 : i32
        %broadcast_in_dim3A_258 = vector.broadcast %broadcast_in_dim3A_257 : i32 to vector<16xi32>
        %gather3A_259 = tpu.vector_load_idx %arg8[%add3A_251, %broadcast_in_dim3A_258] : memref<32x256xf32, #tpu.memory_space<vmem>>[vector<16xi32>, vector<16xi32>], vector<16xf32>,
        %broadcast_in_dim3A_260 = arith.constant 100 : i32
        %broadcast_in_dim3A_261 = vector.broadcast %broadcast_in_dim3A_260 : i32 to vector<16xi32>
        %gather3A_262 = tpu.vector_load_idx %arg8[%add3A_251, %broadcast_in_dim3A_261] : memref<32x256xf32, #tpu.memory_space<vmem>>[vector<16xi32>, vector<16xi32>], vector<16xf32>,
        %broadcast_in_dim3A_263 = arith.constant 128 : i32
        %broadcast_in_dim3A_264 = vector.broadcast %broadcast_in_dim3A_263 : i32 to vector<16xi32>
        %gather3A_265 = tpu.vector_load_idx %arg8[%add3A_251, %broadcast_in_dim3A_264] : memref<32x256xf32, #tpu.memory_space<vmem>>[vector<16xi32>, vector<16xi32>], vector<16xf32>,
        %broadcast_in_dim3A_266 = arith.constant 200 : i32
        %broadcast_in_dim3A_267 = vector.broadcast %broadcast_in_dim3A_266 : i32 to vector<16xi32>
        %gather3A_268 = tpu.vector_load_idx %arg8[%add3A_251, %broadcast_in_dim3A_267] : memref<32x256xf32, #tpu.memory_space<vmem>>[vector<16xi32>, vector<16xi32>], vector<16xf32>,
        %broadcast_in_dim3A_269 = arith.constant 255 : i32
        %broadcast_in_dim3A_270 = vector.broadcast %broadcast_in_dim3A_269 : i32 to vector<16xi32>
        %gather3A_271 = tpu.vector_load_idx %arg8[%add3A_251, %broadcast_in_dim3A_270] : memref<32x256xf32, #tpu.memory_space<vmem>>[vector<16xi32>, vector<16xi32>], vector<16xf32>,
        %broadcast_in_dim3A_272 = arith.constant 60 : i32
        %broadcast_in_dim3A_273 = vector.broadcast %broadcast_in_dim3A_272 : i32 to vector<16xi32>
        %gather3A_274 = tpu.vector_load_idx %arg8[%add3A_251, %broadcast_in_dim3A_273] : memref<32x256xf32, #tpu.memory_space<vmem>>[vector<16xi32>, vector<16xi32>], vector<16xf32>,
        %mul3A_275 = arith.constant -1.000000e+00 : f32
        %mul3A_276 = vector.broadcast %mul3A_275 : f32 to vector<16xf32>
        %mul3A_277 = arith.mulf %gather3A, %mul3A_276 : vector<16xf32>
        %mul3A_278 = arith.constant 1.000000e+00 : f32
        %mul3A_279 = vector.broadcast %mul3A_278 : f32 to vector<16xf32>
        %mul3A_280 = arith.mulf %gather3A_256, %mul3A_279 : vector<16xf32>
        %mul3A_281 = arith.constant -1.000000e+00 : f32
        %mul3A_282 = vector.broadcast %mul3A_281 : f32 to vector<16xf32>
        %mul3A_283 = arith.mulf %gather3A_259, %mul3A_282 : vector<16xf32>
        %mul3A_284 = arith.constant 1.000000e+00 : f32
        %mul3A_285 = vector.broadcast %mul3A_284 : f32 to vector<16xf32>
        %mul3A_286 = arith.mulf %gather3A_262, %mul3A_285 : vector<16xf32>
        %mul3A_287 = arith.constant -1.000000e+00 : f32
        %mul3A_288 = vector.broadcast %mul3A_287 : f32 to vector<16xf32>
        %mul3A_289 = arith.mulf %gather3A_265, %mul3A_288 : vector<16xf32>
        %mul3A_290 = arith.constant 1.000000e+00 : f32
        %mul3A_291 = vector.broadcast %mul3A_290 : f32 to vector<16xf32>
        %mul3A_292 = arith.mulf %gather3A_268, %mul3A_291 : vector<16xf32>
        %mul3A_293 = arith.constant -1.000000e+00 : f32
        %mul3A_294 = vector.broadcast %mul3A_293 : f32 to vector<16xf32>
        %mul3A_295 = arith.mulf %gather3A_271, %mul3A_294 : vector<16xf32>
        %mul3A_296 = arith.constant 1.000000e+00 : f32
        %mul3A_297 = vector.broadcast %mul3A_296 : f32 to vector<16xf32>
        %mul3A_298 = arith.mulf %gather3A_274, %mul3A_297 : vector<16xf32>
        %max3A_299 = arith.maximumf %mul3A_277, %mul3A_280 : vector<16xf32>
        %max3A_300 = arith.maximumf %max3A_299, %mul3A_283 : vector<16xf32>
        %max3A_301 = arith.maximumf %max3A_300, %mul3A_286 : vector<16xf32>
        %max3A_302 = arith.maximumf %max3A_301, %mul3A_289 : vector<16xf32>
        %max3A_303 = arith.maximumf %max3A_302, %mul3A_292 : vector<16xf32>
        %max3A_304 = arith.maximumf %max3A_303, %mul3A_295 : vector<16xf32>
        %max3A_305 = arith.maximumf %max3A_304, %mul3A_298 : vector<16xf32>
        %sub3A = arith.subf %mul3A_277, %max3A_305 : vector<16xf32>
        %exp3A = math.exp %sub3A : vector<16xf32>
        %sub3A_306 = arith.subf %mul3A_280, %max3A_305 : vector<16xf32>
        %exp3A_307 = math.exp %sub3A_306 : vector<16xf32>
        %sub3A_308 = arith.subf %mul3A_283, %max3A_305 : vector<16xf32>
        %exp3A_309 = math.exp %sub3A_308 : vector<16xf32>
        %sub3A_310 = arith.subf %mul3A_286, %max3A_305 : vector<16xf32>
        %exp3A_311 = math.exp %sub3A_310 : vector<16xf32>
        %sub3A_312 = arith.subf %mul3A_289, %max3A_305 : vector<16xf32>
        %exp3A_313 = math.exp %sub3A_312 : vector<16xf32>
        %sub3A_314 = arith.subf %mul3A_292, %max3A_305 : vector<16xf32>
        %exp3A_315 = math.exp %sub3A_314 : vector<16xf32>
        %sub3A_316 = arith.subf %mul3A_295, %max3A_305 : vector<16xf32>
        %exp3A_317 = math.exp %sub3A_316 : vector<16xf32>
        %sub3A_318 = arith.subf %mul3A_298, %max3A_305 : vector<16xf32>
        %exp3A_319 = math.exp %sub3A_318 : vector<16xf32>
        %add3A_320 = arith.addf %exp3A, %exp3A_307 : vector<16xf32>
        %add3A_321 = arith.addf %add3A_320, %exp3A_309 : vector<16xf32>
        %add3A_322 = arith.addf %add3A_321, %exp3A_311 : vector<16xf32>
        %add3A_323 = arith.addf %add3A_322, %exp3A_313 : vector<16xf32>
        %add3A_324 = arith.addf %add3A_323, %exp3A_315 : vector<16xf32>
        %add3A_325 = arith.addf %add3A_324, %exp3A_317 : vector<16xf32>
        %add3A_326 = arith.addf %add3A_325, %exp3A_319 : vector<16xf32>
        %div3A = arith.divf %min3A_6, %add3A_326 : vector<16xf32>
        %mul3A_327 = arith.mulf %exp3A, %div3A : vector<16xf32>
        %mul3A_328 = arith.constant -1.000000e+00 : f32
        %mul3A_329 = vector.broadcast %mul3A_328 : f32 to vector<16xf32>
        %mul3A_330 = arith.mulf %mul3A_327, %mul3A_329 : vector<16xf32>
        %broadcast_in_dim3A_331 = arith.constant 0 : i32
        %broadcast_in_dim3A_332 = vector.broadcast %broadcast_in_dim3A_331 : i32 to vector<16xi32>
        tpu.vector_store_idx %arg12[%add3A_251, %broadcast_in_dim3A_332], %mul3A_330 : memref<32x256xf32, #tpu.memory_space<vmem>>[vector<16xi32>, vector<16xi32>], vector<16xf32>,
        %broadcast_in_dim3A_333 = arith.constant 0 : i32
        %broadcast_in_dim3A_334 = vector.broadcast %broadcast_in_dim3A_333 : i32 to vector<16xi32>
        tpu.vector_store_idx %arg16[%add3A_251, %broadcast_in_dim3A_334], %mul3A_330 : memref<32x8xf32, #tpu.memory_space<vmem>>[vector<16xi32>, vector<16xi32>], vector<16xf32>,
        %mul3A_335 = arith.mulf %exp3A_307, %div3A : vector<16xf32>
        %mul3A_336 = arith.constant 1.000000e+00 : f32
        %mul3A_337 = vector.broadcast %mul3A_336 : f32 to vector<16xf32>
        %mul3A_338 = arith.mulf %mul3A_335, %mul3A_337 : vector<16xf32>
        %broadcast_in_dim3A_339 = arith.constant 17 : i32
        %broadcast_in_dim3A_340 = vector.broadcast %broadcast_in_dim3A_339 : i32 to vector<16xi32>
        tpu.vector_store_idx %arg12[%add3A_251, %broadcast_in_dim3A_340], %mul3A_338 : memref<32x256xf32, #tpu.memory_space<vmem>>[vector<16xi32>, vector<16xi32>], vector<16xf32>,
        %broadcast_in_dim3A_341 = arith.constant 1 : i32
        %broadcast_in_dim3A_342 = vector.broadcast %broadcast_in_dim3A_341 : i32 to vector<16xi32>
        tpu.vector_store_idx %arg16[%add3A_251, %broadcast_in_dim3A_342], %mul3A_338 : memref<32x8xf32, #tpu.memory_space<vmem>>[vector<16xi32>, vector<16xi32>], vector<16xf32>,
        %mul3A_343 = arith.mulf %exp3A_309, %div3A : vector<16xf32>
        %mul3A_344 = arith.constant -1.000000e+00 : f32
        %mul3A_345 = vector.broadcast %mul3A_344 : f32 to vector<16xf32>
        %mul3A_346 = arith.mulf %mul3A_343, %mul3A_345 : vector<16xf32>
        %broadcast_in_dim3A_347 = arith.constant 42 : i32
        %broadcast_in_dim3A_348 = vector.broadcast %broadcast_in_dim3A_347 : i32 to vector<16xi32>
        tpu.vector_store_idx %arg12[%add3A_251, %broadcast_in_dim3A_348], %mul3A_346 : memref<32x256xf32, #tpu.memory_space<vmem>>[vector<16xi32>, vector<16xi32>], vector<16xf32>,
        %broadcast_in_dim3A_349 = arith.constant 2 : i32
        %broadcast_in_dim3A_350 = vector.broadcast %broadcast_in_dim3A_349 : i32 to vector<16xi32>
        tpu.vector_store_idx %arg16[%add3A_251, %broadcast_in_dim3A_350], %mul3A_346 : memref<32x8xf32, #tpu.memory_space<vmem>>[vector<16xi32>, vector<16xi32>], vector<16xf32>,
        %mul3A_351 = arith.mulf %exp3A_311, %div3A : vector<16xf32>
        %mul3A_352 = arith.constant 1.000000e+00 : f32
        %mul3A_353 = vector.broadcast %mul3A_352 : f32 to vector<16xf32>
        %mul3A_354 = arith.mulf %mul3A_351, %mul3A_353 : vector<16xf32>
        %broadcast_in_dim3A_355 = arith.constant 100 : i32
        %broadcast_in_dim3A_356 = vector.broadcast %broadcast_in_dim3A_355 : i32 to vector<16xi32>
        tpu.vector_store_idx %arg12[%add3A_251, %broadcast_in_dim3A_356], %mul3A_354 : memref<32x256xf32, #tpu.memory_space<vmem>>[vector<16xi32>, vector<16xi32>], vector<16xf32>,
        %broadcast_in_dim3A_357 = arith.constant 3 : i32
        %broadcast_in_dim3A_358 = vector.broadcast %broadcast_in_dim3A_357 : i32 to vector<16xi32>
        tpu.vector_store_idx %arg16[%add3A_251, %broadcast_in_dim3A_358], %mul3A_354 : memref<32x8xf32, #tpu.memory_space<vmem>>[vector<16xi32>, vector<16xi32>], vector<16xf32>,
        %mul3A_359 = arith.mulf %exp3A_313, %div3A : vector<16xf32>
        %mul3A_360 = arith.constant -1.000000e+00 : f32
        %mul3A_361 = vector.broadcast %mul3A_360 : f32 to vector<16xf32>
        %mul3A_362 = arith.mulf %mul3A_359, %mul3A_361 : vector<16xf32>
        %broadcast_in_dim3A_363 = arith.constant 128 : i32
        %broadcast_in_dim3A_364 = vector.broadcast %broadcast_in_dim3A_363 : i32 to vector<16xi32>
        tpu.vector_store_idx %arg12[%add3A_251, %broadcast_in_dim3A_364], %mul3A_362 : memref<32x256xf32, #tpu.memory_space<vmem>>[vector<16xi32>, vector<16xi32>], vector<16xf32>,
        %broadcast_in_dim3A_365 = arith.constant 4 : i32
        %broadcast_in_dim3A_366 = vector.broadcast %broadcast_in_dim3A_365 : i32 to vector<16xi32>
        tpu.vector_store_idx %arg16[%add3A_251, %broadcast_in_dim3A_366], %mul3A_362 : memref<32x8xf32, #tpu.memory_space<vmem>>[vector<16xi32>, vector<16xi32>], vector<16xf32>,
        %mul3A_367 = arith.mulf %exp3A_315, %div3A : vector<16xf32>
        %mul3A_368 = arith.constant 1.000000e+00 : f32
        %mul3A_369 = vector.broadcast %mul3A_368 : f32 to vector<16xf32>
        %mul3A_370 = arith.mulf %mul3A_367, %mul3A_369 : vector<16xf32>
        %broadcast_in_dim3A_371 = arith.constant 200 : i32
        %broadcast_in_dim3A_372 = vector.broadcast %broadcast_in_dim3A_371 : i32 to vector<16xi32>
        tpu.vector_store_idx %arg12[%add3A_251, %broadcast_in_dim3A_372], %mul3A_370 : memref<32x256xf32, #tpu.memory_space<vmem>>[vector<16xi32>, vector<16xi32>], vector<16xf32>,
        %broadcast_in_dim3A_373 = arith.constant 5 : i32
        %broadcast_in_dim3A_374 = vector.broadcast %broadcast_in_dim3A_373 : i32 to vector<16xi32>
        tpu.vector_store_idx %arg16[%add3A_251, %broadcast_in_dim3A_374], %mul3A_370 : memref<32x8xf32, #tpu.memory_space<vmem>>[vector<16xi32>, vector<16xi32>], vector<16xf32>,
        %mul3A_375 = arith.mulf %exp3A_317, %div3A : vector<16xf32>
        %mul3A_376 = arith.constant -1.000000e+00 : f32
        %mul3A_377 = vector.broadcast %mul3A_376 : f32 to vector<16xf32>
        %mul3A_378 = arith.mulf %mul3A_375, %mul3A_377 : vector<16xf32>
        %broadcast_in_dim3A_379 = arith.constant 255 : i32
        %broadcast_in_dim3A_380 = vector.broadcast %broadcast_in_dim3A_379 : i32 to vector<16xi32>
        tpu.vector_store_idx %arg12[%add3A_251, %broadcast_in_dim3A_380], %mul3A_378 : memref<32x256xf32, #tpu.memory_space<vmem>>[vector<16xi32>, vector<16xi32>], vector<16xf32>,
        %broadcast_in_dim3A_381 = arith.constant 6 : i32
        %broadcast_in_dim3A_382 = vector.broadcast %broadcast_in_dim3A_381 : i32 to vector<16xi32>
        tpu.vector_store_idx %arg16[%add3A_251, %broadcast_in_dim3A_382], %mul3A_378 : memref<32x8xf32, #tpu.memory_space<vmem>>[vector<16xi32>, vector<16xi32>], vector<16xf32>,
        %mul3A_383 = arith.mulf %exp3A_319, %div3A : vector<16xf32>
        %mul3A_384 = arith.constant 1.000000e+00 : f32
        %mul3A_385 = vector.broadcast %mul3A_384 : f32 to vector<16xf32>
        %mul3A_386 = arith.mulf %mul3A_383, %mul3A_385 : vector<16xf32>
        %broadcast_in_dim3A_387 = arith.constant 60 : i32
        %broadcast_in_dim3A_388 = vector.broadcast %broadcast_in_dim3A_387 : i32 to vector<16xi32>
        tpu.vector_store_idx %arg12[%add3A_251, %broadcast_in_dim3A_388], %mul3A_386 : memref<32x256xf32, #tpu.memory_space<vmem>>[vector<16xi32>, vector<16xi32>], vector<16xf32>,
        %broadcast_in_dim3A_389 = arith.constant 7 : i32
        %broadcast_in_dim3A_390 = vector.broadcast %broadcast_in_dim3A_389 : i32 to vector<16xi32>
        tpu.vector_store_idx %arg16[%add3A_251, %broadcast_in_dim3A_390], %mul3A_386 : memref<32x8xf32, #tpu.memory_space<vmem>>[vector<16xi32>, vector<16xi32>], vector<16xf32>,
        %scan3A_391 = arith.constant 0 : i32
        scf.yield %scan3A_391 : i32
      }
      %scan3A_185 = arith.constant 2 : i32
      %mul3A_186 = arith.constant 32 : i32
      %mul3A_187 = arith.muli %add3A_166, %mul3A_186 : i32
      %add3A_188 = arith.addi %mul3A_2, %mul3A_187 : i32
      %dma_start3A_189 = arith.constant 0 : i32
      %dma_start3A_190 = tpu.memref_slice %arg4[%add3A_188, %dma_start3A_189] : memref<65536x256xf32, #tpu.memory_space<hbm>> -> memref<32x256xf32, #tpu.memory_space<hbm>>
      %dma_start3A_191 = arith.constant 0 : i32
      %dma_start3A_192 = tpu.memref_slice %arg4[%add3A_188, %dma_start3A_191] : memref<65536x256xf32, #tpu.memory_space<hbm>> -> memref<32x256xf32, #tpu.memory_space<hbm>>
      tpu.enqueue_dma source(%arg12 : memref<32x256xf32, #tpu.memory_space<vmem>>) target(%dma_start3A_192 : memref<32x256xf32, #tpu.memory_space<hbm>>) target_semaphore(%arg25 : memref<!tpu.dma_semaphore, #tpu.memory_space<semaphore_mem>>)
      %dma_start3A_193 = arith.constant 0 : i32
      %dma_start3A_194 = tpu.memref_slice %arg5[%add3A_188, %dma_start3A_193] : memref<65536x8xf32, #tpu.memory_space<hbm>> -> memref<32x8xf32, #tpu.memory_space<hbm>>
      %dma_start3A_195 = arith.constant 0 : i32
      %dma_start3A_196 = tpu.memref_slice %arg5[%add3A_188, %dma_start3A_195] : memref<65536x8xf32, #tpu.memory_space<hbm>> -> memref<32x8xf32, #tpu.memory_space<hbm>>
      tpu.enqueue_dma source(%arg16 : memref<32x8xf32, #tpu.memory_space<vmem>>) target(%dma_start3A_196 : memref<32x8xf32, #tpu.memory_space<hbm>>) target_semaphore(%arg29 : memref<!tpu.dma_semaphore, #tpu.memory_space<semaphore_mem>>)
      %add3A_197 = arith.constant 4 : i32
      %add3A_198 = arith.addi %add3A_166, %add3A_197 : i32
      %lt3A_199 = arith.constant 64 : i32
      %lt3A_200 = arith.cmpi slt, %add3A_198, %lt3A_199 : i32
      %convert_element_type3A_201 = arith.extui %lt3A_200 : i1 to i32
      %cond3A_202 = arith.constant 0 : i32
      %cond3A_203 = arith.cmpi ne, %convert_element_type3A_201, %cond3A_202 : i32
      scf.if %cond3A_203 {
        %add3A_246 = arith.constant 4 : i32
        %add3A_247 = arith.addi %add3A_166, %add3A_246 : i32
        %mul3A_248 = arith.constant 32 : i32
        %mul3A_249 = arith.muli %add3A_247, %mul3A_248 : i32
        %add3A_250 = arith.addi %mul3A_2, %mul3A_249 : i32
        %dma_start3A_251 = arith.constant 0 : i32
        %dma_start3A_252 = tpu.memref_slice %arg2[%add3A_250, %dma_start3A_251] : memref<65536x256xf32, #tpu.memory_space<hbm>> -> memref<32x256xf32, #tpu.memory_space<hbm>>
        %dma_start3A_253 = arith.constant 0 : i32
        %dma_start3A_254 = tpu.memref_slice %arg2[%add3A_250, %dma_start3A_253] : memref<65536x256xf32, #tpu.memory_space<hbm>> -> memref<32x256xf32, #tpu.memory_space<hbm>>
        tpu.enqueue_dma source(%dma_start3A_254 : memref<32x256xf32, #tpu.memory_space<hbm>>) target(%arg8 : memref<32x256xf32, #tpu.memory_space<vmem>>) target_semaphore(%arg21 : memref<!tpu.dma_semaphore, #tpu.memory_space<semaphore_mem>>)
      } else {
      }
      %mul3A_204 = arith.constant 4 : i32
      %mul3A_205 = arith.muli %scan3A_83, %mul3A_204 : i32
      %add3A_206 = arith.constant 3 : i32
      %add3A_207 = arith.addi %mul3A_205, %add3A_206 : i32
      %mul3A_208 = arith.constant 32 : i32
      %mul3A_209 = arith.muli %add3A_207, %mul3A_208 : i32
      %add3A_210 = arith.addi %mul3A_2, %mul3A_209 : i32
      %dma_wait3A_211 = arith.constant 0 : i32
      %dma_wait3A_212 = tpu.memref_slice %arg2[%add3A_210, %dma_wait3A_211] : memref<65536x256xf32, #tpu.memory_space<hbm>> -> memref<32x256xf32, #tpu.memory_space<hbm>>
      %dma_wait3A_213 = arith.constant 0 : i32
      %dma_wait3A_214 = tpu.memref_slice %arg2[%add3A_210, %dma_wait3A_213] : memref<65536x256xf32, #tpu.memory_space<hbm>> -> memref<32x256xf32, #tpu.memory_space<hbm>>
      tpu.wait_dma2 semaphore(%arg22 : memref<!tpu.dma_semaphore, #tpu.memory_space<semaphore_mem>>) src(%dma_wait3A_214 : memref<32x256xf32, #tpu.memory_space<hbm>>) dst(%arg9 : memref<32x256xf32, #tpu.memory_space<vmem>>)
      %ge3A_215 = arith.constant 4 : i32
      %ge3A_216 = arith.cmpi sge, %add3A_207, %ge3A_215 : i32
      %convert_element_type3A_217 = arith.extui %ge3A_216 : i1 to i32
      %cond3A_218 = arith.constant 0 : i32
      %cond3A_219 = arith.cmpi ne, %convert_element_type3A_217, %cond3A_218 : i32
      scf.if %cond3A_219 {
        %sub3A = arith.constant 4 : i32
        %sub3A_246 = arith.subi %add3A_207, %sub3A : i32
        %mul3A_247 = arith.constant 32 : i32
        %mul3A_248 = arith.muli %sub3A_246, %mul3A_247 : i32
        %add3A_249 = arith.addi %mul3A_2, %mul3A_248 : i32
        %dma_wait3A_250 = arith.constant 0 : i32
        %dma_wait3A_251 = tpu.memref_slice %arg4[%add3A_249, %dma_wait3A_250] : memref<65536x256xf32, #tpu.memory_space<hbm>> -> memref<32x256xf32, #tpu.memory_space<hbm>>
        %dma_wait3A_252 = arith.constant 0 : i32
        %dma_wait3A_253 = tpu.memref_slice %arg4[%add3A_249, %dma_wait3A_252] : memref<65536x256xf32, #tpu.memory_space<hbm>> -> memref<32x256xf32, #tpu.memory_space<hbm>>
        tpu.wait_dma2 semaphore(%arg26 : memref<!tpu.dma_semaphore, #tpu.memory_space<semaphore_mem>>) src(%arg13 : memref<32x256xf32, #tpu.memory_space<vmem>>) dst(%dma_wait3A_253 : memref<32x256xf32, #tpu.memory_space<hbm>>)
        %dma_wait3A_254 = arith.constant 0 : i32
        %dma_wait3A_255 = tpu.memref_slice %arg5[%add3A_249, %dma_wait3A_254] : memref<65536x8xf32, #tpu.memory_space<hbm>> -> memref<32x8xf32, #tpu.memory_space<hbm>>
        %dma_wait3A_256 = arith.constant 0 : i32
        %dma_wait3A_257 = tpu.memref_slice %arg5[%add3A_249, %dma_wait3A_256] : memref<65536x8xf32, #tpu.memory_space<hbm>> -> memref<32x8xf32, #tpu.memory_space<hbm>>
        tpu.wait_dma2 semaphore(%arg30 : memref<!tpu.dma_semaphore, #tpu.memory_space<semaphore_mem>>) src(%arg17 : memref<32x8xf32, #tpu.memory_space<vmem>>) dst(%dma_wait3A_257 : memref<32x8xf32, #tpu.memory_space<hbm>>)
      } else {
      }
      %scan3A_220 = arith.constant 0 : i32
      %scan3A_221 = arith.constant 0 : i32
      %scan3A_222 = arith.constant 2 : i32
      %scan3A_223 = arith.addi %scan3A_221, %scan3A_222 : i32
      %scan3A_224 = arith.constant 1 : i32
      %scan3A_225 = scf.for %scan3A_246 = %scan3A_221 to %scan3A_223 step %scan3A_224 iter_args(%scan3A_247 = %scan3A_220) -> (i32)  : i32 {
        %mul3A_248 = arith.constant 16 : i32
        %mul3A_249 = arith.muli %scan3A_246, %mul3A_248 : i32
        %add3A_250 = vector.broadcast %mul3A_249 : i32 to vector<16xi32>
        %add3A_251 = arith.addi %add3A_250, %iota3A : vector<16xi32>
        %broadcast_in_dim3A_252 = arith.constant 0 : i32
        %broadcast_in_dim3A_253 = vector.broadcast %broadcast_in_dim3A_252 : i32 to vector<16xi32>
        %gather3A = tpu.vector_load_idx %arg9[%add3A_251, %broadcast_in_dim3A_253] : memref<32x256xf32, #tpu.memory_space<vmem>>[vector<16xi32>, vector<16xi32>], vector<16xf32>,
        %broadcast_in_dim3A_254 = arith.constant 17 : i32
        %broadcast_in_dim3A_255 = vector.broadcast %broadcast_in_dim3A_254 : i32 to vector<16xi32>
        %gather3A_256 = tpu.vector_load_idx %arg9[%add3A_251, %broadcast_in_dim3A_255] : memref<32x256xf32, #tpu.memory_space<vmem>>[vector<16xi32>, vector<16xi32>], vector<16xf32>,
        %broadcast_in_dim3A_257 = arith.constant 42 : i32
        %broadcast_in_dim3A_258 = vector.broadcast %broadcast_in_dim3A_257 : i32 to vector<16xi32>
        %gather3A_259 = tpu.vector_load_idx %arg9[%add3A_251, %broadcast_in_dim3A_258] : memref<32x256xf32, #tpu.memory_space<vmem>>[vector<16xi32>, vector<16xi32>], vector<16xf32>,
        %broadcast_in_dim3A_260 = arith.constant 100 : i32
        %broadcast_in_dim3A_261 = vector.broadcast %broadcast_in_dim3A_260 : i32 to vector<16xi32>
        %gather3A_262 = tpu.vector_load_idx %arg9[%add3A_251, %broadcast_in_dim3A_261] : memref<32x256xf32, #tpu.memory_space<vmem>>[vector<16xi32>, vector<16xi32>], vector<16xf32>,
        %broadcast_in_dim3A_263 = arith.constant 128 : i32
        %broadcast_in_dim3A_264 = vector.broadcast %broadcast_in_dim3A_263 : i32 to vector<16xi32>
        %gather3A_265 = tpu.vector_load_idx %arg9[%add3A_251, %broadcast_in_dim3A_264] : memref<32x256xf32, #tpu.memory_space<vmem>>[vector<16xi32>, vector<16xi32>], vector<16xf32>,
        %broadcast_in_dim3A_266 = arith.constant 200 : i32
        %broadcast_in_dim3A_267 = vector.broadcast %broadcast_in_dim3A_266 : i32 to vector<16xi32>
        %gather3A_268 = tpu.vector_load_idx %arg9[%add3A_251, %broadcast_in_dim3A_267] : memref<32x256xf32, #tpu.memory_space<vmem>>[vector<16xi32>, vector<16xi32>], vector<16xf32>,
        %broadcast_in_dim3A_269 = arith.constant 255 : i32
        %broadcast_in_dim3A_270 = vector.broadcast %broadcast_in_dim3A_269 : i32 to vector<16xi32>
        %gather3A_271 = tpu.vector_load_idx %arg9[%add3A_251, %broadcast_in_dim3A_270] : memref<32x256xf32, #tpu.memory_space<vmem>>[vector<16xi32>, vector<16xi32>], vector<16xf32>,
        %broadcast_in_dim3A_272 = arith.constant 60 : i32
        %broadcast_in_dim3A_273 = vector.broadcast %broadcast_in_dim3A_272 : i32 to vector<16xi32>
        %gather3A_274 = tpu.vector_load_idx %arg9[%add3A_251, %broadcast_in_dim3A_273] : memref<32x256xf32, #tpu.memory_space<vmem>>[vector<16xi32>, vector<16xi32>], vector<16xf32>,
        %mul3A_275 = arith.constant -1.000000e+00 : f32
        %mul3A_276 = vector.broadcast %mul3A_275 : f32 to vector<16xf32>
        %mul3A_277 = arith.mulf %gather3A, %mul3A_276 : vector<16xf32>
        %mul3A_278 = arith.constant 1.000000e+00 : f32
        %mul3A_279 = vector.broadcast %mul3A_278 : f32 to vector<16xf32>
        %mul3A_280 = arith.mulf %gather3A_256, %mul3A_279 : vector<16xf32>
        %mul3A_281 = arith.constant -1.000000e+00 : f32
        %mul3A_282 = vector.broadcast %mul3A_281 : f32 to vector<16xf32>
        %mul3A_283 = arith.mulf %gather3A_259, %mul3A_282 : vector<16xf32>
        %mul3A_284 = arith.constant 1.000000e+00 : f32
        %mul3A_285 = vector.broadcast %mul3A_284 : f32 to vector<16xf32>
        %mul3A_286 = arith.mulf %gather3A_262, %mul3A_285 : vector<16xf32>
        %mul3A_287 = arith.constant -1.000000e+00 : f32
        %mul3A_288 = vector.broadcast %mul3A_287 : f32 to vector<16xf32>
        %mul3A_289 = arith.mulf %gather3A_265, %mul3A_288 : vector<16xf32>
        %mul3A_290 = arith.constant 1.000000e+00 : f32
        %mul3A_291 = vector.broadcast %mul3A_290 : f32 to vector<16xf32>
        %mul3A_292 = arith.mulf %gather3A_268, %mul3A_291 : vector<16xf32>
        %mul3A_293 = arith.constant -1.000000e+00 : f32
        %mul3A_294 = vector.broadcast %mul3A_293 : f32 to vector<16xf32>
        %mul3A_295 = arith.mulf %gather3A_271, %mul3A_294 : vector<16xf32>
        %mul3A_296 = arith.constant 1.000000e+00 : f32
        %mul3A_297 = vector.broadcast %mul3A_296 : f32 to vector<16xf32>
        %mul3A_298 = arith.mulf %gather3A_274, %mul3A_297 : vector<16xf32>
        %max3A_299 = arith.maximumf %mul3A_277, %mul3A_280 : vector<16xf32>
        %max3A_300 = arith.maximumf %max3A_299, %mul3A_283 : vector<16xf32>
        %max3A_301 = arith.maximumf %max3A_300, %mul3A_286 : vector<16xf32>
        %max3A_302 = arith.maximumf %max3A_301, %mul3A_289 : vector<16xf32>
        %max3A_303 = arith.maximumf %max3A_302, %mul3A_292 : vector<16xf32>
        %max3A_304 = arith.maximumf %max3A_303, %mul3A_295 : vector<16xf32>
        %max3A_305 = arith.maximumf %max3A_304, %mul3A_298 : vector<16xf32>
        %sub3A = arith.subf %mul3A_277, %max3A_305 : vector<16xf32>
        %exp3A = math.exp %sub3A : vector<16xf32>
        %sub3A_306 = arith.subf %mul3A_280, %max3A_305 : vector<16xf32>
        %exp3A_307 = math.exp %sub3A_306 : vector<16xf32>
        %sub3A_308 = arith.subf %mul3A_283, %max3A_305 : vector<16xf32>
        %exp3A_309 = math.exp %sub3A_308 : vector<16xf32>
        %sub3A_310 = arith.subf %mul3A_286, %max3A_305 : vector<16xf32>
        %exp3A_311 = math.exp %sub3A_310 : vector<16xf32>
        %sub3A_312 = arith.subf %mul3A_289, %max3A_305 : vector<16xf32>
        %exp3A_313 = math.exp %sub3A_312 : vector<16xf32>
        %sub3A_314 = arith.subf %mul3A_292, %max3A_305 : vector<16xf32>
        %exp3A_315 = math.exp %sub3A_314 : vector<16xf32>
        %sub3A_316 = arith.subf %mul3A_295, %max3A_305 : vector<16xf32>
        %exp3A_317 = math.exp %sub3A_316 : vector<16xf32>
        %sub3A_318 = arith.subf %mul3A_298, %max3A_305 : vector<16xf32>
        %exp3A_319 = math.exp %sub3A_318 : vector<16xf32>
        %add3A_320 = arith.addf %exp3A, %exp3A_307 : vector<16xf32>
        %add3A_321 = arith.addf %add3A_320, %exp3A_309 : vector<16xf32>
        %add3A_322 = arith.addf %add3A_321, %exp3A_311 : vector<16xf32>
        %add3A_323 = arith.addf %add3A_322, %exp3A_313 : vector<16xf32>
        %add3A_324 = arith.addf %add3A_323, %exp3A_315 : vector<16xf32>
        %add3A_325 = arith.addf %add3A_324, %exp3A_317 : vector<16xf32>
        %add3A_326 = arith.addf %add3A_325, %exp3A_319 : vector<16xf32>
        %div3A = arith.divf %min3A_6, %add3A_326 : vector<16xf32>
        %mul3A_327 = arith.mulf %exp3A, %div3A : vector<16xf32>
        %mul3A_328 = arith.constant -1.000000e+00 : f32
        %mul3A_329 = vector.broadcast %mul3A_328 : f32 to vector<16xf32>
        %mul3A_330 = arith.mulf %mul3A_327, %mul3A_329 : vector<16xf32>
        %broadcast_in_dim3A_331 = arith.constant 0 : i32
        %broadcast_in_dim3A_332 = vector.broadcast %broadcast_in_dim3A_331 : i32 to vector<16xi32>
        tpu.vector_store_idx %arg13[%add3A_251, %broadcast_in_dim3A_332], %mul3A_330 : memref<32x256xf32, #tpu.memory_space<vmem>>[vector<16xi32>, vector<16xi32>], vector<16xf32>,
        %broadcast_in_dim3A_333 = arith.constant 0 : i32
        %broadcast_in_dim3A_334 = vector.broadcast %broadcast_in_dim3A_333 : i32 to vector<16xi32>
        tpu.vector_store_idx %arg17[%add3A_251, %broadcast_in_dim3A_334], %mul3A_330 : memref<32x8xf32, #tpu.memory_space<vmem>>[vector<16xi32>, vector<16xi32>], vector<16xf32>,
        %mul3A_335 = arith.mulf %exp3A_307, %div3A : vector<16xf32>
        %mul3A_336 = arith.constant 1.000000e+00 : f32
        %mul3A_337 = vector.broadcast %mul3A_336 : f32 to vector<16xf32>
        %mul3A_338 = arith.mulf %mul3A_335, %mul3A_337 : vector<16xf32>
        %broadcast_in_dim3A_339 = arith.constant 17 : i32
        %broadcast_in_dim3A_340 = vector.broadcast %broadcast_in_dim3A_339 : i32 to vector<16xi32>
        tpu.vector_store_idx %arg13[%add3A_251, %broadcast_in_dim3A_340], %mul3A_338 : memref<32x256xf32, #tpu.memory_space<vmem>>[vector<16xi32>, vector<16xi32>], vector<16xf32>,
        %broadcast_in_dim3A_341 = arith.constant 1 : i32
        %broadcast_in_dim3A_342 = vector.broadcast %broadcast_in_dim3A_341 : i32 to vector<16xi32>
        tpu.vector_store_idx %arg17[%add3A_251, %broadcast_in_dim3A_342], %mul3A_338 : memref<32x8xf32, #tpu.memory_space<vmem>>[vector<16xi32>, vector<16xi32>], vector<16xf32>,
        %mul3A_343 = arith.mulf %exp3A_309, %div3A : vector<16xf32>
        %mul3A_344 = arith.constant -1.000000e+00 : f32
        %mul3A_345 = vector.broadcast %mul3A_344 : f32 to vector<16xf32>
        %mul3A_346 = arith.mulf %mul3A_343, %mul3A_345 : vector<16xf32>
        %broadcast_in_dim3A_347 = arith.constant 42 : i32
        %broadcast_in_dim3A_348 = vector.broadcast %broadcast_in_dim3A_347 : i32 to vector<16xi32>
        tpu.vector_store_idx %arg13[%add3A_251, %broadcast_in_dim3A_348], %mul3A_346 : memref<32x256xf32, #tpu.memory_space<vmem>>[vector<16xi32>, vector<16xi32>], vector<16xf32>,
        %broadcast_in_dim3A_349 = arith.constant 2 : i32
        %broadcast_in_dim3A_350 = vector.broadcast %broadcast_in_dim3A_349 : i32 to vector<16xi32>
        tpu.vector_store_idx %arg17[%add3A_251, %broadcast_in_dim3A_350], %mul3A_346 : memref<32x8xf32, #tpu.memory_space<vmem>>[vector<16xi32>, vector<16xi32>], vector<16xf32>,
        %mul3A_351 = arith.mulf %exp3A_311, %div3A : vector<16xf32>
        %mul3A_352 = arith.constant 1.000000e+00 : f32
        %mul3A_353 = vector.broadcast %mul3A_352 : f32 to vector<16xf32>
        %mul3A_354 = arith.mulf %mul3A_351, %mul3A_353 : vector<16xf32>
        %broadcast_in_dim3A_355 = arith.constant 100 : i32
        %broadcast_in_dim3A_356 = vector.broadcast %broadcast_in_dim3A_355 : i32 to vector<16xi32>
        tpu.vector_store_idx %arg13[%add3A_251, %broadcast_in_dim3A_356], %mul3A_354 : memref<32x256xf32, #tpu.memory_space<vmem>>[vector<16xi32>, vector<16xi32>], vector<16xf32>,
        %broadcast_in_dim3A_357 = arith.constant 3 : i32
        %broadcast_in_dim3A_358 = vector.broadcast %broadcast_in_dim3A_357 : i32 to vector<16xi32>
        tpu.vector_store_idx %arg17[%add3A_251, %broadcast_in_dim3A_358], %mul3A_354 : memref<32x8xf32, #tpu.memory_space<vmem>>[vector<16xi32>, vector<16xi32>], vector<16xf32>,
        %mul3A_359 = arith.mulf %exp3A_313, %div3A : vector<16xf32>
        %mul3A_360 = arith.constant -1.000000e+00 : f32
        %mul3A_361 = vector.broadcast %mul3A_360 : f32 to vector<16xf32>
        %mul3A_362 = arith.mulf %mul3A_359, %mul3A_361 : vector<16xf32>
        %broadcast_in_dim3A_363 = arith.constant 128 : i32
        %broadcast_in_dim3A_364 = vector.broadcast %broadcast_in_dim3A_363 : i32 to vector<16xi32>
        tpu.vector_store_idx %arg13[%add3A_251, %broadcast_in_dim3A_364], %mul3A_362 : memref<32x256xf32, #tpu.memory_space<vmem>>[vector<16xi32>, vector<16xi32>], vector<16xf32>,
        %broadcast_in_dim3A_365 = arith.constant 4 : i32
        %broadcast_in_dim3A_366 = vector.broadcast %broadcast_in_dim3A_365 : i32 to vector<16xi32>
        tpu.vector_store_idx %arg17[%add3A_251, %broadcast_in_dim3A_366], %mul3A_362 : memref<32x8xf32, #tpu.memory_space<vmem>>[vector<16xi32>, vector<16xi32>], vector<16xf32>,
        %mul3A_367 = arith.mulf %exp3A_315, %div3A : vector<16xf32>
        %mul3A_368 = arith.constant 1.000000e+00 : f32
        %mul3A_369 = vector.broadcast %mul3A_368 : f32 to vector<16xf32>
        %mul3A_370 = arith.mulf %mul3A_367, %mul3A_369 : vector<16xf32>
        %broadcast_in_dim3A_371 = arith.constant 200 : i32
        %broadcast_in_dim3A_372 = vector.broadcast %broadcast_in_dim3A_371 : i32 to vector<16xi32>
        tpu.vector_store_idx %arg13[%add3A_251, %broadcast_in_dim3A_372], %mul3A_370 : memref<32x256xf32, #tpu.memory_space<vmem>>[vector<16xi32>, vector<16xi32>], vector<16xf32>,
        %broadcast_in_dim3A_373 = arith.constant 5 : i32
        %broadcast_in_dim3A_374 = vector.broadcast %broadcast_in_dim3A_373 : i32 to vector<16xi32>
        tpu.vector_store_idx %arg17[%add3A_251, %broadcast_in_dim3A_374], %mul3A_370 : memref<32x8xf32, #tpu.memory_space<vmem>>[vector<16xi32>, vector<16xi32>], vector<16xf32>,
        %mul3A_375 = arith.mulf %exp3A_317, %div3A : vector<16xf32>
        %mul3A_376 = arith.constant -1.000000e+00 : f32
        %mul3A_377 = vector.broadcast %mul3A_376 : f32 to vector<16xf32>
        %mul3A_378 = arith.mulf %mul3A_375, %mul3A_377 : vector<16xf32>
        %broadcast_in_dim3A_379 = arith.constant 255 : i32
        %broadcast_in_dim3A_380 = vector.broadcast %broadcast_in_dim3A_379 : i32 to vector<16xi32>
        tpu.vector_store_idx %arg13[%add3A_251, %broadcast_in_dim3A_380], %mul3A_378 : memref<32x256xf32, #tpu.memory_space<vmem>>[vector<16xi32>, vector<16xi32>], vector<16xf32>,
        %broadcast_in_dim3A_381 = arith.constant 6 : i32
        %broadcast_in_dim3A_382 = vector.broadcast %broadcast_in_dim3A_381 : i32 to vector<16xi32>
        tpu.vector_store_idx %arg17[%add3A_251, %broadcast_in_dim3A_382], %mul3A_378 : memref<32x8xf32, #tpu.memory_space<vmem>>[vector<16xi32>, vector<16xi32>], vector<16xf32>,
        %mul3A_383 = arith.mulf %exp3A_319, %div3A : vector<16xf32>
        %mul3A_384 = arith.constant 1.000000e+00 : f32
        %mul3A_385 = vector.broadcast %mul3A_384 : f32 to vector<16xf32>
        %mul3A_386 = arith.mulf %mul3A_383, %mul3A_385 : vector<16xf32>
        %broadcast_in_dim3A_387 = arith.constant 60 : i32
        %broadcast_in_dim3A_388 = vector.broadcast %broadcast_in_dim3A_387 : i32 to vector<16xi32>
        tpu.vector_store_idx %arg13[%add3A_251, %broadcast_in_dim3A_388], %mul3A_386 : memref<32x256xf32, #tpu.memory_space<vmem>>[vector<16xi32>, vector<16xi32>], vector<16xf32>,
        %broadcast_in_dim3A_389 = arith.constant 7 : i32
        %broadcast_in_dim3A_390 = vector.broadcast %broadcast_in_dim3A_389 : i32 to vector<16xi32>
        tpu.vector_store_idx %arg17[%add3A_251, %broadcast_in_dim3A_390], %mul3A_386 : memref<32x8xf32, #tpu.memory_space<vmem>>[vector<16xi32>, vector<16xi32>], vector<16xf32>,
        %scan3A_391 = arith.constant 0 : i32
        scf.yield %scan3A_391 : i32
      }
      %scan3A_226 = arith.constant 2 : i32
      %mul3A_227 = arith.constant 32 : i32
      %mul3A_228 = arith.muli %add3A_207, %mul3A_227 : i32
      %add3A_229 = arith.addi %mul3A_2, %mul3A_228 : i32
      %dma_start3A_230 = arith.constant 0 : i32
      %dma_start3A_231 = tpu.memref_slice %arg4[%add3A_229, %dma_start3A_230] : memref<65536x256xf32, #tpu.memory_space<hbm>> -> memref<32x256xf32, #tpu.memory_space<hbm>>
      %dma_start3A_232 = arith.constant 0 : i32
      %dma_start3A_233 = tpu.memref_slice %arg4[%add3A_229, %dma_start3A_232] : memref<65536x256xf32, #tpu.memory_space<hbm>> -> memref<32x256xf32, #tpu.memory_space<hbm>>
      tpu.enqueue_dma source(%arg13 : memref<32x256xf32, #tpu.memory_space<vmem>>) target(%dma_start3A_233 : memref<32x256xf32, #tpu.memory_space<hbm>>) target_semaphore(%arg26 : memref<!tpu.dma_semaphore, #tpu.memory_space<semaphore_mem>>)
      %dma_start3A_234 = arith.constant 0 : i32
      %dma_start3A_235 = tpu.memref_slice %arg5[%add3A_229, %dma_start3A_234] : memref<65536x8xf32, #tpu.memory_space<hbm>> -> memref<32x8xf32, #tpu.memory_space<hbm>>
      %dma_start3A_236 = arith.constant 0 : i32
      %dma_start3A_237 = tpu.memref_slice %arg5[%add3A_229, %dma_start3A_236] : memref<65536x8xf32, #tpu.memory_space<hbm>> -> memref<32x8xf32, #tpu.memory_space<hbm>>
      tpu.enqueue_dma source(%arg17 : memref<32x8xf32, #tpu.memory_space<vmem>>) target(%dma_start3A_237 : memref<32x8xf32, #tpu.memory_space<hbm>>) target_semaphore(%arg30 : memref<!tpu.dma_semaphore, #tpu.memory_space<semaphore_mem>>)
      %add3A_238 = arith.constant 4 : i32
      %add3A_239 = arith.addi %add3A_207, %add3A_238 : i32
      %lt3A_240 = arith.constant 64 : i32
      %lt3A_241 = arith.cmpi slt, %add3A_239, %lt3A_240 : i32
      %convert_element_type3A_242 = arith.extui %lt3A_241 : i1 to i32
      %cond3A_243 = arith.constant 0 : i32
      %cond3A_244 = arith.cmpi ne, %convert_element_type3A_242, %cond3A_243 : i32
      scf.if %cond3A_244 {
        %add3A_246 = arith.constant 4 : i32
        %add3A_247 = arith.addi %add3A_207, %add3A_246 : i32
        %mul3A_248 = arith.constant 32 : i32
        %mul3A_249 = arith.muli %add3A_247, %mul3A_248 : i32
        %add3A_250 = arith.addi %mul3A_2, %mul3A_249 : i32
        %dma_start3A_251 = arith.constant 0 : i32
        %dma_start3A_252 = tpu.memref_slice %arg2[%add3A_250, %dma_start3A_251] : memref<65536x256xf32, #tpu.memory_space<hbm>> -> memref<32x256xf32, #tpu.memory_space<hbm>>
        %dma_start3A_253 = arith.constant 0 : i32
        %dma_start3A_254 = tpu.memref_slice %arg2[%add3A_250, %dma_start3A_253] : memref<65536x256xf32, #tpu.memory_space<hbm>> -> memref<32x256xf32, #tpu.memory_space<hbm>>
        tpu.enqueue_dma source(%dma_start3A_254 : memref<32x256xf32, #tpu.memory_space<hbm>>) target(%arg9 : memref<32x256xf32, #tpu.memory_space<vmem>>) target_semaphore(%arg22 : memref<!tpu.dma_semaphore, #tpu.memory_space<semaphore_mem>>)
      } else {
      }
      %scan3A_245 = arith.constant 0 : i32
      scf.yield %scan3A_245 : i32
    }
    %scan3A_43 = arith.constant 16 : i32
    %add3A_44 = arith.constant 1920 : i32
    %add3A_45 = arith.addi %mul3A_2, %add3A_44 : i32
    %dma_wait3A = arith.constant 0 : i32
    %dma_wait3A_46 = tpu.memref_slice %arg4[%add3A_45, %dma_wait3A] : memref<65536x256xf32, #tpu.memory_space<hbm>> -> memref<32x256xf32, #tpu.memory_space<hbm>>
    %dma_wait3A_47 = arith.constant 0 : i32
    %dma_wait3A_48 = tpu.memref_slice %arg4[%add3A_45, %dma_wait3A_47] : memref<65536x256xf32, #tpu.memory_space<hbm>> -> memref<32x256xf32, #tpu.memory_space<hbm>>
    tpu.wait_dma2 semaphore(%arg23 : memref<!tpu.dma_semaphore, #tpu.memory_space<semaphore_mem>>) src(%arg10 : memref<32x256xf32, #tpu.memory_space<vmem>>) dst(%dma_wait3A_48 : memref<32x256xf32, #tpu.memory_space<hbm>>)
    %dma_wait3A_49 = arith.constant 0 : i32
    %dma_wait3A_50 = tpu.memref_slice %arg5[%add3A_45, %dma_wait3A_49] : memref<65536x8xf32, #tpu.memory_space<hbm>> -> memref<32x8xf32, #tpu.memory_space<hbm>>
    %dma_wait3A_51 = arith.constant 0 : i32
    %dma_wait3A_52 = tpu.memref_slice %arg5[%add3A_45, %dma_wait3A_51] : memref<65536x8xf32, #tpu.memory_space<hbm>> -> memref<32x8xf32, #tpu.memory_space<hbm>>
    tpu.wait_dma2 semaphore(%arg27 : memref<!tpu.dma_semaphore, #tpu.memory_space<semaphore_mem>>) src(%arg14 : memref<32x8xf32, #tpu.memory_space<vmem>>) dst(%dma_wait3A_52 : memref<32x8xf32, #tpu.memory_space<hbm>>)
    %add3A_53 = arith.constant 1952 : i32
    %add3A_54 = arith.addi %mul3A_2, %add3A_53 : i32
    %dma_wait3A_55 = arith.constant 0 : i32
    %dma_wait3A_56 = tpu.memref_slice %arg4[%add3A_54, %dma_wait3A_55] : memref<65536x256xf32, #tpu.memory_space<hbm>> -> memref<32x256xf32, #tpu.memory_space<hbm>>
    %dma_wait3A_57 = arith.constant 0 : i32
    %dma_wait3A_58 = tpu.memref_slice %arg4[%add3A_54, %dma_wait3A_57] : memref<65536x256xf32, #tpu.memory_space<hbm>> -> memref<32x256xf32, #tpu.memory_space<hbm>>
    tpu.wait_dma2 semaphore(%arg24 : memref<!tpu.dma_semaphore, #tpu.memory_space<semaphore_mem>>) src(%arg11 : memref<32x256xf32, #tpu.memory_space<vmem>>) dst(%dma_wait3A_58 : memref<32x256xf32, #tpu.memory_space<hbm>>)
    %dma_wait3A_59 = arith.constant 0 : i32
    %dma_wait3A_60 = tpu.memref_slice %arg5[%add3A_54, %dma_wait3A_59] : memref<65536x8xf32, #tpu.memory_space<hbm>> -> memref<32x8xf32, #tpu.memory_space<hbm>>
    %dma_wait3A_61 = arith.constant 0 : i32
    %dma_wait3A_62 = tpu.memref_slice %arg5[%add3A_54, %dma_wait3A_61] : memref<65536x8xf32, #tpu.memory_space<hbm>> -> memref<32x8xf32, #tpu.memory_space<hbm>>
    tpu.wait_dma2 semaphore(%arg28 : memref<!tpu.dma_semaphore, #tpu.memory_space<semaphore_mem>>) src(%arg15 : memref<32x8xf32, #tpu.memory_space<vmem>>) dst(%dma_wait3A_62 : memref<32x8xf32, #tpu.memory_space<hbm>>)
    %add3A_63 = arith.constant 1984 : i32
    %add3A_64 = arith.addi %mul3A_2, %add3A_63 : i32
    %dma_wait3A_65 = arith.constant 0 : i32
    %dma_wait3A_66 = tpu.memref_slice %arg4[%add3A_64, %dma_wait3A_65] : memref<65536x256xf32, #tpu.memory_space<hbm>> -> memref<32x256xf32, #tpu.memory_space<hbm>>
    %dma_wait3A_67 = arith.constant 0 : i32
    %dma_wait3A_68 = tpu.memref_slice %arg4[%add3A_64, %dma_wait3A_67] : memref<65536x256xf32, #tpu.memory_space<hbm>> -> memref<32x256xf32, #tpu.memory_space<hbm>>
    tpu.wait_dma2 semaphore(%arg25 : memref<!tpu.dma_semaphore, #tpu.memory_space<semaphore_mem>>) src(%arg12 : memref<32x256xf32, #tpu.memory_space<vmem>>) dst(%dma_wait3A_68 : memref<32x256xf32, #tpu.memory_space<hbm>>)
    %dma_wait3A_69 = arith.constant 0 : i32
    %dma_wait3A_70 = tpu.memref_slice %arg5[%add3A_64, %dma_wait3A_69] : memref<65536x8xf32, #tpu.memory_space<hbm>> -> memref<32x8xf32, #tpu.memory_space<hbm>>
    %dma_wait3A_71 = arith.constant 0 : i32
    %dma_wait3A_72 = tpu.memref_slice %arg5[%add3A_64, %dma_wait3A_71] : memref<65536x8xf32, #tpu.memory_space<hbm>> -> memref<32x8xf32, #tpu.memory_space<hbm>>
    tpu.wait_dma2 semaphore(%arg29 : memref<!tpu.dma_semaphore, #tpu.memory_space<semaphore_mem>>) src(%arg16 : memref<32x8xf32, #tpu.memory_space<vmem>>) dst(%dma_wait3A_72 : memref<32x8xf32, #tpu.memory_space<hbm>>)
    %add3A_73 = arith.constant 2016 : i32
    %add3A_74 = arith.addi %mul3A_2, %add3A_73 : i32
    %dma_wait3A_75 = arith.constant 0 : i32
    %dma_wait3A_76 = tpu.memref_slice %arg4[%add3A_74, %dma_wait3A_75] : memref<65536x256xf32, #tpu.memory_space<hbm>> -> memref<32x256xf32, #tpu.memory_space<hbm>>
    %dma_wait3A_77 = arith.constant 0 : i32
    %dma_wait3A_78 = tpu.memref_slice %arg4[%add3A_74, %dma_wait3A_77] : memref<65536x256xf32, #tpu.memory_space<hbm>> -> memref<32x256xf32, #tpu.memory_space<hbm>>
    tpu.wait_dma2 semaphore(%arg26 : memref<!tpu.dma_semaphore, #tpu.memory_space<semaphore_mem>>) src(%arg13 : memref<32x256xf32, #tpu.memory_space<vmem>>) dst(%dma_wait3A_78 : memref<32x256xf32, #tpu.memory_space<hbm>>)
    %dma_wait3A_79 = arith.constant 0 : i32
    %dma_wait3A_80 = tpu.memref_slice %arg5[%add3A_74, %dma_wait3A_79] : memref<65536x8xf32, #tpu.memory_space<hbm>> -> memref<32x8xf32, #tpu.memory_space<hbm>>
    %dma_wait3A_81 = arith.constant 0 : i32
    %dma_wait3A_82 = tpu.memref_slice %arg5[%add3A_74, %dma_wait3A_81] : memref<65536x8xf32, #tpu.memory_space<hbm>> -> memref<32x8xf32, #tpu.memory_space<hbm>>
    tpu.wait_dma2 semaphore(%arg30 : memref<!tpu.dma_semaphore, #tpu.memory_space<semaphore_mem>>) src(%arg17 : memref<32x8xf32, #tpu.memory_space<vmem>>) dst(%dma_wait3A_82 : memref<32x8xf32, #tpu.memory_space<hbm>>)
    return
  }
}

</mosaic_0001>

<sc_bundles>
// kernel: _sc_call.3.cloned.1.call-start
scs
__scs_entry_jumppad:
0x0: {  	(pc) =	sbr.rel $0x88, $3  }
0x1: {  	(tag) =	ssettag $0x0;
	lr =	simm.s32 $0x1  }
0x2: {  	[smem:$0x3F9F] =	sst lr;
	_ =	strace $0xD0000000  }
0x3: {  	_ = 	snop  }
0x4: {  	_ = 	snop  }
0x5: {  	_ = 	snop  }
0x6: {  	_ = 	snop  }
0x7: {  	_ = 	snop  }
__scs_overlays_trampoline_lowered:
0x8: {  	[smem:$0x3FAE] =	sst s0  }
0x9: {  	[smem:$0x3FAF] =	sst s1  }
0xa: {  	[smem:$0x3FB0] =	sst s2  }
0xb: {  	[smem:$0x3FB1] =	sst s3  }
0xc: {  	[smem:$0x3FB2] =	sst s4  }
0xd: {  	[smem:$0x3FB3] =	sst s5  }
0xe: {  	[smem:$0x3FB4] =	sst s6  }
0xf: {  	[smem:$0x3FB5] =	sst s7  }
0x10: {  	[smem:$0x3FB6] =	sst s8  }
0x11: {  	[smem:$0x3FB7] =	sst s9;
	s0 =	simm.s32 @!p0 $0x0  }
0x12: {  	s1 =	sld [smem:$0x3F9D];
	s0 =	simm.s32 @p0 $0x1  }
0x13: {  	[smem:$0x3FB8] =	sst s0;
	s0 =	simm.s32 @!p1 $0x0  }
0x14: {  	s2 =	sld [smem:$0x3F9C];
	s0 =	simm.s32 @p1 $0x1  }
0x15: {  	[smem:$0x3FB9] =	sst s0;
	s0 =	simm.s32 @!p2 $0x0  }
0x16: {  	s3 =	sld [smem:$0x3FDB];
	s0 =	simm.s32 @p2 $0x1  }
0x17: {  	s4 =	simm.s32 $0x1BF5;
	[smem:$0x3FBB] =	sst s0  }
0x18: {  	s0 =	sld [smem:$0x3F9E];
	_ =	swait.ge [sflag:s4], $0x0  }
0x19: {  	s7 =	sld [smem:$0x3F9F]  }
0x1a: {  	s8 =	sadd.s32 $0xFFFFE003, lr  }
0x1b: {  	s9 =	sadd.s32 $0xFFFFFEF7, lr;
	s5 =	simm.s32 $0xFFFFFFFF;
	p2 =	slt.u32 s8, $0xFFFFF086  }
0x1c: {  	p1 =	slt.u32 s9, $0xF7A;
	s5 =	simm.s32 @!p2 $0x0  }
0x1d: {  	s5 =	simm.s32 @p1 $0x1;
	p0 =	seq.s32 s7, s2  }
0x1e: {  	s7 =	smul.u32 @!p0 $0xF7A, s2;
	p2 =	seq.s32 @!p0 s5, $0x0  }
0x1f: {  	s9 =	smul.u32 $0xF7A, s1;
	s8 =	simm.s32 @!p0 $0x1BF5;
	p2 =	por !p2, p0  }
0x20: {  	[sflag:s8] =	ssyncset.s32 @!p0 $0xFFFFF086;
	s6 =	sadd.s32 @!p0 s3, s7;
	s7 =	simm.s32 @!p0 $0x108  }
0x21: {  	s3 =	sadd.s32 s3, s9;
	s6 =	sadd.s32 @!p0 $0x88, s6;
	s7 =	simm.s32 @p2 $0x1082  }
0x22: {  	[simem:s7], [sflag:s8] =	dma.local @!p0 [hbm:s6], $0xF7A  }
0x23: {  	s9 =	sor.u32 $0xD0000000, s2;
	s6 =	simm.s32 $0x108;
	_ =	swait.ge @!p0 [sflag:s8], $0x0  }
0x24: {  	s3 =	sadd.s32 $0x88, s3;
	s6 =	simm.s32 @!p1 $0x1082;
	[sflag:s4] =	ssyncset.s32 $0xFFFFF086  }
0x25: {  	[simem:s6], [sflag:s4] =	dma.local [hbm:s3], $0xF7A  }
0x26: {  	[smem:$0x3F9F] =	sst s1;
	(tag) =	ssettag s2;
	_ =	strace s9  }
0x27: {  	s1 =	sld [smem:$0x3FAF]  }
0x28: {  	s2 =	sld [smem:$0x3FB0]  }
0x29: {  	s4 =	sld [smem:$0x3FB2]  }
0x2a: {  	p0 =	seq.s32 s5, $0x0;
	s5 =	sld [smem:$0x3FB3]  }
0x2b: {  	s6 =	sld [smem:$0x3FB4]  }
0x2c: {  	s7 =	sld [smem:$0x3FB5]  }
0x2d: {  	s3 =	simm.s32 $0x108;
	s8 =	sld [smem:$0x3FB6]  }
0x2e: {  	s3 =	simm.s32 @!p0 $0x1082;
	s9 =	sld [smem:$0x3FB7]  }
0x2f: {  	lr =	sadd.s32 s0, s3;
	s0 =	sld [smem:$0x3FAE]  }
0x30: {  	s3 =	sld [smem:$0x3FB1]  }
0x31: {  	[smem:$0x3FBA] =	sst s10  }
0x32: {  	s10 =	sld [smem:$0x3FB8];
	_ =	sdelay $0x3  }
0x33: {  	p0 =	seq.s32 s10, $0x1;
	s10 =	sld [smem:$0x3FBA];
	_ =	sdelay $0x3  }
0x34: {  	[smem:$0x3FBA] =	sst s10  }
0x35: {  	s10 =	sld [smem:$0x3FB9];
	_ =	sdelay $0x3  }
0x36: {  	p1 =	seq.s32 s10, $0x1;
	s10 =	sld [smem:$0x3FBA];
	_ =	sdelay $0x3  }
0x37: {  	[smem:$0x3FBA] =	sst s10  }
0x38: {  	s10 =	sld [smem:$0x3FBB]  }
0x39: {  	_ = 	snop;
	(pc) =	sbr.ind lr, $3  }
0x3a: {  	_ = 	snop  }
0x3b: {  	_ = 	snop  }
0x3c: {  	p2 =	seq.s32 s10, $0x1;
	s10 =	sld [smem:$0x3FBA]  }
0x3d: {  	_ =	shalt  }
0x3e: {  	_ =	shalt  }
0x3f: {  	_ =	shalt  }
0x40: {  	_ =	shalt  }
0x41: {  	_ =	shalt  }
0x42: {  	_ =	shalt  }
0x43: {  	_ =	shalt  }
0x44: {  	_ =	shalt  }
0x45: {  	_ =	shalt  }
0x46: {  	_ =	shalt  }
0x47: {  	_ =	shalt  }
0x48: {  	_ =	shalt  }
0x49: {  	_ =	shalt  }
0x4a: {  	_ =	shalt  }
0x4b: {  	_ =	shalt  }
0x4c: {  	_ =	shalt  }
0x4d: {  	_ =	shalt  }
0x4e: {  	_ =	shalt  }
0x4f: {  	_ =	shalt  }
0x50: {  	_ =	shalt  }
0x51: {  	_ =	shalt  }
0x52: {  	_ =	shalt  }
0x53: {  	_ =	shalt  }
0x54: {  	_ =	shalt  }
0x55: {  	_ =	shalt  }
0x56: {  	_ =	shalt  }
0x57: {  	_ =	shalt  }
0x58: {  	_ =	shalt  }
0x59: {  	_ =	shalt  }
0x5a: {  	_ =	shalt  }
0x5b: {  	_ =	shalt  }
0x5c: {  	_ =	shalt  }
0x5d: {  	_ =	shalt  }
0x5e: {  	_ =	shalt  }
0x5f: {  	_ =	shalt  }
0x60: {  	_ =	shalt  }
0x61: {  	_ =	shalt  }
0x62: {  	_ =	shalt  }
0x63: {  	_ =	shalt  }
0x64: {  	_ =	shalt  }
0x65: {  	_ =	shalt  }
0x66: {  	_ =	shalt  }
0x67: {  	_ =	shalt  }
0x68: {  	_ =	shalt  }
0x69: {  	_ =	shalt  }
0x6a: {  	_ =	shalt  }
0x6b: {  	_ =	shalt  }
0x6c: {  	_ =	shalt  }
0x6d: {  	_ =	shalt  }
0x6e: {  	_ =	shalt  }
0x6f: {  	_ =	shalt  }
0x70: {  	_ =	shalt  }
0x71: {  	_ =	shalt  }
0x72: {  	_ =	shalt  }
0x73: {  	_ =	shalt  }
0x74: {  	_ =	shalt  }
0x75: {  	_ =	shalt  }
0x76: {  	_ =	shalt  }
0x77: {  	_ =	shalt  }
0x78: {  	_ =	shalt  }
0x79: {  	_ =	shalt  }
0x7a: {  	_ =	shalt  }
0x7b: {  	_ =	shalt  }
0x7c: {  	_ =	shalt  }
0x7d: {  	_ =	shalt  }
0x7e: {  	_ =	shalt  }
0x7f: {  	_ =	shalt  }
0x80: {  	_ =	shalt  }
0x81: {  	_ =	shalt  }
0x82: {  	_ =	shalt  }
0x83: {  	_ =	shalt  }
0x84: {  	_ =	shalt  }
0x85: {  	_ =	shalt  }
0x86: {  	_ =	shalt  }
0x87: {  	_ =	shalt  }
.Lfunc_end0:
.L_simem_size_0:
called_computation_lowered:
.L_overlay_start_0:
0x88: {  	s2 =	sld [smem:$0x3FD9]  }
0x89: {  	s3 =	sld [smem:$0x3FFE];
	_ =	sdelay $0x1  }
0x8a: {  	s1 =	srdreg.scid  }
0x8b: {  	s0 =	sand.u32 $0x1, s1  }
0x8c: {  	s14 =	sshll.u32 s0, $0xA;
	s2 =	sadd.s32 s3, s2  }
0x8d: {  	s2 =	sadd.s32 s2, s14  }
0x8e: {  	[smem:$0x3FC6] =	sst s2  }
0x8f: {  	_ = 	snop  }
0x90: {  	s2 =	sld [smem:$0x3FD0];
	_ =	sdelay $0x1  }
0x91: {  	s15 =	sld [smem:$0x3FC9]  }
0x92: {  	s5 =	simm.s32 $0xA;
	s6 =	simm.s32 $0x10;
	s4 =	sld [smem:$0x3FC8]  }
0x93: {  	[smem:s6], [sflag:s5] =	dma.local [hbm:s2], $0x1  }
0x94: {  	_ =	swait.eq [sflag:s5], $0x1  }
0x95: {  	[sflag:s5] =	ssyncset.done $0x0  }
0x96: {  	[sflag:s5] =	ssyncadd.s32 $0xFFFFFFFF  }
0x97: {  	s16 =	sld [smem:$0x10];
	(tm) =	ssettm $0x1  }
0x98: {  	s17 =	sld [smem:$0x3FFB];
	_ =	sdelay $0x3  }
0x99: {  	_ =	strace s17  }
0x9a: {  	s5 =	sld [smem:$0x3FFC];
	_ =	sdelay $0x3  }
0x9b: {  	_ =	strace s5  }
0x9c: {  	s5 =	sld [smem:$0x3FFD];
	_ =	sdelay $0x3  }
0x9d: {  	_ =	strace s5  }
0x9e: {  	_ =	strace $0x8FFFFFFF  }
0x9f: {  	s18 =	sld [smem:$0x3FDB];
	_ =	sdelay $0x1  }
0xa0: {  	s19 =	simm.s32 $_scs_section_size  }
0xa1: {  	s7 =	simm.s32 $_size__tile_overlayer_lowered;
	s8 =	simm.s32 $_tile_overlayer_lowered  }
0xa2: {  	s22 =	simm.s32 $0x1BFF;
	s21 =	sshll.u32 s8, $0x1;
	s5 =	sadd.s32 s19, s18  }
0xa3: {  	s9 =	simm.s32 $0x0;
	s20 =	sshll.u32 s7, $0x1;
	s7 =	sadd.s32 s21, s5  }
0xa4: {  	[timem:s9], [sflag:s22] =	dma.local [hbm:s7], s20  }
0xa5: {  	_ =	swait.ge [sflag:s22], s20  }
0xa6: {  	s6 =	ssub.s32 $0x0, s20;
	[sflag:s22] =	ssyncset.done $0x0  }
0xa7: {  	[sflag:s22] =	ssyncadd.s32 s6;
	_ =	sdelay $0x1  }
0xa8: {  	s23 =	simm.s32 $0x1B8B  }
0xa9: {  	_ =	swait.ge [sflag:s23], $0x1  }
0xaa: {  	[sflag:s23] =	ssyncset.done $0x0  }
0xab: {  	s25 =	simm.s32 $0x1B8E;
	s24 =	sld [smem:$0x3FFE];
	[sflag:s23] =	ssyncadd.s32 $0xFFFFFFFF  }
0xac: {  	s26 =	simm.s32 $execute0_lowered;
	[smem:$0x3FD2] =	sst s25  }
0xad: {  	s7 =	sshll.u32 s26, $0x1;
	_ =	strace $0x80000046;
	[dreg:$0x1] =	wrdreg $0xFFFFFFFF  }
0xae: {  	s28 =	simm.s32 $_size_execute0_lowered;
	s5 =	sadd.s32 s5, s7;
	[dreg:$0x0] =	wrdreg $0x0  }
0xaf: {  	s7 =	sshll.u32 s28, $0x1;
	[dreg:$0x2] =	wrdreg s5  }
0xb0: {  	[dreg:$0x3] =	wrdreg s7  }
0xb1: {  	[dreg:$0x4] =	wrdreg $0xC0  }
0xb2: {  	_ =	task [dreg:s9], $0x5FFFF  }
0xb3: {  	[dreg:$0x1] =	wrdreg $0xFFFFFFFF  }
0xb4: {  	[dreg:$0x0] =	wrdreg $0x60  }
0xb5: {  	[dreg:$0x2] =	wrdreg s15  }
0xb6: {  	[dreg:$0x3] =	wrdreg s4  }
0xb7: {  	[dreg:$0x4] =	wrdreg s16  }
0xb8: {  	[dreg:$0x5] =	wrdreg s24  }
0xb9: {  	[dreg:$0x6] =	wrdreg $0x9  }
0xba: {  	_ =	task.clear_ibuf [dreg:s9], $0x7FFFF;
	_ =	strace $0x90000046  }
0xbb: {  	s29 =	simm.s32 $0x9;
	_ =	strace $0x80000048  }
0xbc: {  	_ =	swait.ge [sflag:s29], $0x1  }
0xbd: {  	[sflag:s29] =	ssyncadd.s32 $0xFFFFFFFF  }
0xbe: {  	_ =	strace $0x90000048  }
0xbf: {  	_ =	sfence  }
0xc0: {  	s30 =	sld [smem:$0x0];
	_ =	sdelay $0x2  }
0xc1: {  	s31 =	sshll.u32 s1, $0xD;
	s1 =	sshrl.u32 s1, $0x2  }
0xc2: {  	s3 =	sand.u32 $0x4000, s31;
	s1 =	sadd.s32 s1, s30  }
0xc3: {  	s0 =	sor.u32 s3, s0;
	s1 =	sshll.u32 s1, $0x11  }
0xc4: {  	s0 =	sor.u32 s1, s0  }
0xc5: {  	s0 =	sadd.s32 $0x8F2B, s0  }
0xc6: {  	[sflag:s0] =	ssyncadd.remote.s32 $0x1  }
0xc7: {  	_ =	sfence.sel $0xFFFF  }
0xc8: {  	[dreg:$0x0] =	wrdreg $0xFFFFFFFF;
	(pc) =	sbr.abs _section_cstart, $3  }
0xc9: {  	[dreg:$0x1] =	wrdreg $0xFFFFFFFF  }
0xca: {  	_ =	task.clear_ibuf [dreg:s9], $0x2FFFF;
	_ =	strace $0x9FFFFFFF  }
0xcb: {  	(tm) =	ssettm $0x7FFFFFFF  }
tec
execute0_lowered:
.L_overlay_start_1:
0x0: {  	(tag) =	ssettag $0x1  }
0x1: {  	s0 =	rddreg [dreg:$0x0];
	s1 =	srdreg.scid  }
0x2: {  	s3 =	rddreg [dreg:$0x2];
	s4 =	stileid.u32  }
0x3: {  	s2 =	rddreg [dreg:$0x3];
	s18 =	simm.s32 $0x2000;
	s19 =	simm.s32 $0x4000  }
0x4: {  	s20 =	simm.s32 $0x6000;
	s21 =	simm.s32 $0x1;
	s22 =	simm.s32 $0x8000  }
0x5: {  	s28 =	simm.s32 $0x3;
	s29 =	simm.s32 $0xC000;
	s30 =	simm.s32 $0x12000  }
0x6: {  	s31 =	simm.s32 $0x4;
	s17 =	simm.s32 $0xC;
	s1 =	sand.u32 $0x1, s1  }
0x7: {  	s5 =	sshll.u32 s4, $0xC;
	s4 =	simm.s32 $0x0;
	s7 =	sadd.s32 $0x800, s2  }
0x8: {  	s2 =	simm.s32 $0xE000;
	s6 =	sshll.u32 s1, $0xB;
	s1 =	ssub.s32 $0x2, s1  }
0x9: {  	[smem:$0x7FF] =	sst s4;
	s5 =	sor.u32 s6, s5;
	s8 =	sshrl.u32 s1, $0x1  }
0xa: {  	_ =	strace $0x80000047;
	s6 =	sshll.u32 s5, $0x5;
	s23 =	ssub.s32 s1, s8  }
0xb: {  	v0 =	vlaneseq.u32;
	s1 =	simm.s32 $0x0;
	s6 =	sadd.s32 s0, s6;
	s0 =	smax.u32 s23, $0x1  }
0xc: {  	v1 =	vand.u32 $0x7, v0;
	s23 =	simm.s32 $0x10000;
	s24 =	sadd.s32 $0x400, s6;
	[dreg:$0x5] =	wrdreg s6  }
.Ltmp0:
0xd: {  	v1 =	vmul.u32 $0x80, v1;
	s25 =	sadd.s32 $0x800, s6;
	[dreg:$0x9] =	wrdreg s0;
	(pc) =	sbr.rel .LBB2_1-.Ltmp0, $4  }
0xe: {  	s26 =	sadd.s32 $0xC00, s6;
	s11 =	sadd.s32 $0x1000, s6;
	[dreg:$0x6] =	wrdreg s24  }
0xf: {  	v2 =	vimm.f32 $0.0e+00;
	v3 =	vor.u32 $0x11, v1;
	s12 =	sadd.s32 $0x1400, s6;
	s13 =	sadd.s32 $0x1800, s6;
	[dreg:$0x7] =	wrdreg s25  }
0x10: {  	v4 =	vor.u32 $0x2A, v1;
	v5 =	vor.u32 $0x64, v1;
	v6 =	vor.u32 $0x400, v1;
	s14 =	sadd.s32 $0x1C00, s6;
	s0 =	simm.s32 $0x13000;
	[dreg:$0x8] =	wrdreg s26  }
0x11: {  	v7 =	vor.u32 $0x448, v1;
	v8 =	vor.u32 $0x47F, v1;
	v9 =	vor.u32 $0x3C, v1;
	s24 =	simm.s32 $0x2;
	s25 =	simm.s32 $0xA000;
	s26 =	simm.s32 $0x11000  }
.LBB2_14:
0x12: {  	s6 =	simm.s32 $0x5  }
0x13: {  	_ =	swait.ge [sflag:s6], $0x2000  }
0x14: {  	[sflag:s6] =	ssyncset.done $0x0  }
0x15: {  	s15 =	simm.s32 $0x9;
	[sflag:s6] =	ssyncadd.s32 $0xFFFFE000  }
0x16: {  	_ =	swait.ge [sflag:s15], $0x1000  }
0x17: {  	[sflag:s15] =	ssyncset.done $0x0  }
0x18: {  	s16 =	simm.s32 $0x6;
	[sflag:s15] =	ssyncadd.s32 $0xFFFFF000  }
0x19: {  	_ =	swait.ge [sflag:s16], $0x2000  }
0x1a: {  	[sflag:s16] =	ssyncset.done $0x0  }
0x1b: {  	s8 =	simm.s32 $0xA;
	[sflag:s16] =	ssyncadd.s32 $0xFFFFE000  }
0x1c: {  	_ =	swait.ge [sflag:s8], $0x1000  }
0x1d: {  	[sflag:s8] =	ssyncset.done $0x0  }
0x1e: {  	s9 =	simm.s32 $0x7;
	[sflag:s8] =	ssyncadd.s32 $0xFFFFF000  }
0x1f: {  	_ =	swait.ge [sflag:s9], $0x2000  }
0x20: {  	[sflag:s9] =	ssyncset.done $0x0  }
0x21: {  	s10 =	simm.s32 $0xB;
	[sflag:s9] =	ssyncadd.s32 $0xFFFFE000  }
0x22: {  	_ =	swait.ge [sflag:s10], $0x1000  }
0x23: {  	[sflag:s10] =	ssyncset.done $0x0  }
0x24: {  	s15 =	simm.s32 $0x8;
	[sflag:s10] =	ssyncadd.s32 $0xFFFFF000  }
0x25: {  	_ =	swait.ge [sflag:s15], $0x2000  }
0x26: {  	[sflag:s15] =	ssyncset.done $0x0  }
0x27: {  	[sflag:s15] =	ssyncadd.s32 $0xFFFFE000  }
0x28: {  	_ =	swait.ge [sflag:s17], $0x1000  }
0x29: {  	s1 =	sadd.s32 $0x1, s1;
	s16 =	rddreg [dreg:$0x9]  }
0x2a: {  	p0 =	sne.s32 s1, s16  }
.Ltmp1:
0x2b: {  	_ = 	snop;
	(pc) =	sbr.rel @!p0 .LBB2_15-.Ltmp1, $3  }
0x2c: {  	_ =	sdelay $0x1  }
0x2d: {  	[sflag:s17] =	ssyncset.done $0x0  }
0x2e: {  	[sflag:s17] =	ssyncadd.s32 $0xFFFFF000  }
.LBB2_1:
0x2f: {  	s6 =	rddreg [dreg:$0x1];
	s8 =	simm.s32 $0x14000;
	s15 =	simm.s32 $0xD  }
0x30: {  	[tilespmem:s8], [sflag:$0xD] =	stream.linear.gather [hbm4b:s6+s4], $0x80, $0x38;
	[tilespmem:$0x14080] =	vst v63  }
0x31: {  	_ =	swait.ge [sflag:s15], $0x80  }
0x32: {  	s16 =	sand.u32 $0x1800, s4;
	s9 =	sand.u32 $0x380, s4;
	[sflag:s15] =	ssyncset.done $0x0  }
0x33: {  	s8 =	sor.u32 s9, s16;
	[sflag:s15] =	ssyncadd.s32 $0xFFFFFF80  }
0x34: {  	v10 =	vld [tilespmem:$0x14000];
	[tilespmem:s8+$0xE470] =	vst v2  }
0x35: {  	[tilespmem:s8+$0x8000] =	vst v2  }
0x36: {  	[tilespmem:s8+$0x8010] =	vst v2  }
0x37: {  	[tilespmem:s8+$0x8020] =	vst v2  }
0x38: {  	[tilespmem:s8+$0x8030] =	vst v2  }
0x39: {  	[tilespmem:s8+$0x8040] =	vst v2  }
0x3a: {  	[tilespmem:s8+$0x8050] =	vst v2  }
0x3b: {  	[tilespmem:s8+$0x8060] =	vst v2  }
0x3c: {  	[tilespmem:s8+$0x8070] =	vst v2  }
0x3d: {  	[tilespmem:s8+$0x8400] =	vst v2  }
0x3e: {  	[tilespmem:s8+$0x8410] =	vst v2  }
0x3f: {  	[tilespmem:s8+$0x8420] =	vst v2  }
0x40: {  	[tilespmem:s8+$0x8430] =	vst v2  }
0x41: {  	[tilespmem:s8+$0x8440] =	vst v2  }
0x42: {  	[tilespmem:s8+$0x8450] =	vst v2  }
0x43: {  	[tilespmem:s8+$0x8460] =	vst v2  }
0x44: {  	[tilespmem:s8+$0x8470] =	vst v2  }
0x45: {  	[tilespmem:s8+$0xA000] =	vst v2  }
0x46: {  	[tilespmem:s8+$0xA010] =	vst v2  }
0x47: {  	[tilespmem:s8+$0xA020] =	vst v2  }
0x48: {  	[tilespmem:s8+$0xA030] =	vst v2  }
0x49: {  	[tilespmem:s8+$0xA040] =	vst v2  }
0x4a: {  	[tilespmem:s8+$0xA050] =	vst v2  }
0x4b: {  	[tilespmem:s8+$0xA060] =	vst v2  }
0x4c: {  	[tilespmem:s8+$0xA070] =	vst v2  }
0x4d: {  	[tilespmem:s8+$0xA400] =	vst v2  }
0x4e: {  	[tilespmem:s8+$0xA410] =	vst v2  }
0x4f: {  	[tilespmem:s8+$0xA420] =	vst v2  }
0x50: {  	[tilespmem:s8+$0xA430] =	vst v2  }
0x51: {  	[tilespmem:s8+$0xA440] =	vst v2  }
0x52: {  	[tilespmem:s8+$0xA450] =	vst v2  }
0x53: {  	[tilespmem:s8+$0xA460] =	vst v2  }
0x54: {  	[tilespmem:s8+$0xA470] =	vst v2  }
0x55: {  	[tilespmem:s8+$0xC000] =	vst v2  }
0x56: {  	[tilespmem:s8+$0xC010] =	vst v2  }
0x57: {  	[tilespmem:s8+$0xC020] =	vst v2  }
0x58: {  	[tilespmem:s8+$0xC030] =	vst v2  }
0x59: {  	[tilespmem:s8+$0xC040] =	vst v2  }
0x5a: {  	[tilespmem:s8+$0xC050] =	vst v2  }
0x5b: {  	[tilespmem:s8+$0xC060] =	vst v2  }
0x5c: {  	[tilespmem:s8+$0xC070] =	vst v2  }
0x5d: {  	[tilespmem:s8+$0xC400] =	vst v2  }
0x5e: {  	[tilespmem:s8+$0xC410] =	vst v2  }
0x5f: {  	[tilespmem:s8+$0xC420] =	vst v2  }
0x60: {  	[tilespmem:s8+$0xC430] =	vst v2  }
0x61: {  	[tilespmem:s8+$0xC440] =	vst v2  }
0x62: {  	[tilespmem:s8+$0xC450] =	vst v2  }
0x63: {  	[tilespmem:s8+$0xC460] =	vst v2  }
0x64: {  	[tilespmem:s8+$0xC470] =	vst v2  }
0x65: {  	[tilespmem:s8+$0xE000] =	vst v2  }
0x66: {  	[tilespmem:s8+$0xE010] =	vst v2  }
0x67: {  	[tilespmem:s8+$0xE020] =	vst v2  }
0x68: {  	[tilespmem:s8+$0xE030] =	vst v2  }
0x69: {  	[tilespmem:s8+$0xE040] =	vst v2  }
0x6a: {  	[tilespmem:s8+$0xE050] =	vst v2  }
0x6b: {  	[tilespmem:s8+$0xE060] =	vst v2  }
0x6c: {  	[tilespmem:s8+$0xE070] =	vst v2  }
0x6d: {  	[tilespmem:s8+$0xE400] =	vst v2  }
0x6e: {  	[tilespmem:s8+$0xE410] =	vst v2  }
0x6f: {  	[tilespmem:s8+$0xE420] =	vst v2  }
0x70: {  	[tilespmem:s8+$0xE430] =	vst v2  }
0x71: {  	s10 =	simm.s32 $0x100;
	s9 =	simm.s32 $0x80;
	[tilespmem:s8+$0xE440] =	vst v2  }
0x72: {  	s10 =	sand.u32 $0x1800, s10;
	s16 =	simm.s32 $0x200;
	s15 =	sand.u32 $0x380, s9;
	[tilespmem:s8+$0xE450] =	vst v2  }
.LBB2_2:
0x73: {  	p0 =	sne.s32 s16, $0x1F00;
	[tilespmem:s8+$0xE460] =	vst v2;
	s8 =	sor.u32 s15, s10  }
0x74: {  	[tilespmem:s8+$0xE470] =	vst v2  }
0x75: {  	[tilespmem:s8+$0x8000] =	vst v2  }
0x76: {  	[tilespmem:s8+$0x8010] =	vst v2  }
0x77: {  	[tilespmem:s8+$0x8020] =	vst v2  }
0x78: {  	[tilespmem:s8+$0x8030] =	vst v2  }
0x79: {  	[tilespmem:s8+$0x8040] =	vst v2  }
0x7a: {  	[tilespmem:s8+$0x8050] =	vst v2  }
0x7b: {  	[tilespmem:s8+$0x8060] =	vst v2  }
0x7c: {  	[tilespmem:s8+$0x8070] =	vst v2  }
0x7d: {  	[tilespmem:s8+$0x8400] =	vst v2  }
0x7e: {  	[tilespmem:s8+$0x8410] =	vst v2  }
0x7f: {  	[tilespmem:s8+$0x8420] =	vst v2  }
0x80: {  	[tilespmem:s8+$0x8430] =	vst v2  }
0x81: {  	[tilespmem:s8+$0x8440] =	vst v2  }
0x82: {  	[tilespmem:s8+$0x8450] =	vst v2  }
0x83: {  	[tilespmem:s8+$0x8460] =	vst v2  }
0x84: {  	[tilespmem:s8+$0x8470] =	vst v2  }
0x85: {  	[tilespmem:s8+$0xA000] =	vst v2  }
0x86: {  	[tilespmem:s8+$0xA010] =	vst v2  }
0x87: {  	[tilespmem:s8+$0xA020] =	vst v2  }
0x88: {  	[tilespmem:s8+$0xA030] =	vst v2  }
0x89: {  	[tilespmem:s8+$0xA040] =	vst v2  }
0x8a: {  	[tilespmem:s8+$0xA050] =	vst v2  }
0x8b: {  	[tilespmem:s8+$0xA060] =	vst v2  }
0x8c: {  	[tilespmem:s8+$0xA070] =	vst v2  }
0x8d: {  	[tilespmem:s8+$0xA400] =	vst v2  }
0x8e: {  	[tilespmem:s8+$0xA410] =	vst v2  }
0x8f: {  	[tilespmem:s8+$0xA420] =	vst v2  }
0x90: {  	[tilespmem:s8+$0xA430] =	vst v2  }
0x91: {  	[tilespmem:s8+$0xA440] =	vst v2  }
0x92: {  	[tilespmem:s8+$0xA450] =	vst v2  }
0x93: {  	[tilespmem:s8+$0xA460] =	vst v2  }
0x94: {  	[tilespmem:s8+$0xA470] =	vst v2  }
0x95: {  	[tilespmem:s8+$0xC000] =	vst v2  }
0x96: {  	[tilespmem:s8+$0xC010] =	vst v2  }
0x97: {  	[tilespmem:s8+$0xC020] =	vst v2  }
0x98: {  	[tilespmem:s8+$0xC030] =	vst v2  }
0x99: {  	[tilespmem:s8+$0xC040] =	vst v2  }
0x9a: {  	[tilespmem:s8+$0xC050] =	vst v2  }
0x9b: {  	[tilespmem:s8+$0xC060] =	vst v2  }
0x9c: {  	[tilespmem:s8+$0xC070] =	vst v2  }
0x9d: {  	[tilespmem:s8+$0xC400] =	vst v2  }
0x9e: {  	[tilespmem:s8+$0xC410] =	vst v2  }
0x9f: {  	[tilespmem:s8+$0xC420] =	vst v2  }
0xa0: {  	[tilespmem:s8+$0xC430] =	vst v2  }
0xa1: {  	[tilespmem:s8+$0xC440] =	vst v2  }
0xa2: {  	[tilespmem:s8+$0xC450] =	vst v2  }
0xa3: {  	[tilespmem:s8+$0xC460] =	vst v2  }
0xa4: {  	[tilespmem:s8+$0xC470] =	vst v2  }
0xa5: {  	[tilespmem:s8+$0xE000] =	vst v2  }
0xa6: {  	[tilespmem:s8+$0xE010] =	vst v2  }
0xa7: {  	[tilespmem:s8+$0xE020] =	vst v2  }
0xa8: {  	[tilespmem:s8+$0xE030] =	vst v2  }
0xa9: {  	[tilespmem:s8+$0xE040] =	vst v2  }
0xaa: {  	[tilespmem:s8+$0xE050] =	vst v2  }
0xab: {  	[tilespmem:s8+$0xE060] =	vst v2  }
0xac: {  	[tilespmem:s8+$0xE070] =	vst v2  }
0xad: {  	[tilespmem:s8+$0xE400] =	vst v2  }
.Ltmp2:
0xae: {  	[tilespmem:s8+$0xE410] =	vst v2;
	(pc) =	sbr.rel @p0 .LBB2_2-.Ltmp2, $4  }
0xaf: {  	[tilespmem:s8+$0xE420] =	vst v2  }
0xb0: {  	[tilespmem:s8+$0xE430] =	vst v2  }
0xb1: {  	s9 =	sadd.s32 $0x80, s9;
	[tilespmem:s8+$0xE440] =	vst v2  }
0xb2: {  	s10 =	sand.u32 $0x1800, s16;
	s16 =	sadd.s32 $0x100, s16;
	s15 =	sand.u32 $0x380, s9;
	[tilespmem:s8+$0xE450] =	vst v2  }
0xb3: {  	s9 =	sor.u32 s15, s10;
	[tilespmem:s8+$0xE460] =	vst v2  }
0xb4: {  	[tilespmem:s9+$0xE470] =	vst v2  }
0xb5: {  	[tilespmem:s9+$0x8000] =	vst v2  }
0xb6: {  	[tilespmem:s9+$0x8010] =	vst v2  }
0xb7: {  	[tilespmem:s9+$0x8020] =	vst v2  }
0xb8: {  	[tilespmem:s9+$0x8030] =	vst v2  }
0xb9: {  	[tilespmem:s9+$0x8040] =	vst v2  }
0xba: {  	[tilespmem:s9+$0x8050] =	vst v2  }
0xbb: {  	[tilespmem:s9+$0x8060] =	vst v2  }
0xbc: {  	[tilespmem:s9+$0x8070] =	vst v2  }
0xbd: {  	[tilespmem:s9+$0x8400] =	vst v2  }
0xbe: {  	[tilespmem:s9+$0x8410] =	vst v2  }
0xbf: {  	[tilespmem:s9+$0x8420] =	vst v2  }
0xc0: {  	[tilespmem:s9+$0x8430] =	vst v2  }
0xc1: {  	[tilespmem:s9+$0x8440] =	vst v2  }
0xc2: {  	[tilespmem:s9+$0x8450] =	vst v2  }
0xc3: {  	[tilespmem:s9+$0x8460] =	vst v2  }
0xc4: {  	[tilespmem:s9+$0x8470] =	vst v2  }
0xc5: {  	[tilespmem:s9+$0xA000] =	vst v2  }
0xc6: {  	[tilespmem:s9+$0xA010] =	vst v2  }
0xc7: {  	[tilespmem:s9+$0xA020] =	vst v2  }
0xc8: {  	[tilespmem:s9+$0xA030] =	vst v2  }
0xc9: {  	[tilespmem:s9+$0xA040] =	vst v2  }
0xca: {  	[tilespmem:s9+$0xA050] =	vst v2  }
0xcb: {  	[tilespmem:s9+$0xA060] =	vst v2  }
0xcc: {  	[tilespmem:s9+$0xA070] =	vst v2  }
0xcd: {  	[tilespmem:s9+$0xA400] =	vst v2  }
0xce: {  	[tilespmem:s9+$0xA410] =	vst v2  }
0xcf: {  	[tilespmem:s9+$0xA420] =	vst v2  }
0xd0: {  	[tilespmem:s9+$0xA430] =	vst v2  }
0xd1: {  	[tilespmem:s9+$0xA440] =	vst v2  }
0xd2: {  	[tilespmem:s9+$0xA450] =	vst v2  }
0xd3: {  	[tilespmem:s9+$0xA460] =	vst v2  }
0xd4: {  	[tilespmem:s9+$0xA470] =	vst v2  }
0xd5: {  	[tilespmem:s9+$0xC000] =	vst v2  }
0xd6: {  	[tilespmem:s9+$0xC010] =	vst v2  }
0xd7: {  	[tilespmem:s9+$0xC020] =	vst v2  }
0xd8: {  	[tilespmem:s9+$0xC030] =	vst v2  }
0xd9: {  	[tilespmem:s9+$0xC040] =	vst v2  }
0xda: {  	[tilespmem:s9+$0xC050] =	vst v2  }
0xdb: {  	[tilespmem:s9+$0xC060] =	vst v2  }
0xdc: {  	[tilespmem:s9+$0xC070] =	vst v2  }
0xdd: {  	[tilespmem:s9+$0xC400] =	vst v2  }
0xde: {  	[tilespmem:s9+$0xC410] =	vst v2  }
0xdf: {  	[tilespmem:s9+$0xC420] =	vst v2  }
0xe0: {  	[tilespmem:s9+$0xC430] =	vst v2  }
0xe1: {  	[tilespmem:s9+$0xC440] =	vst v2  }
0xe2: {  	[tilespmem:s9+$0xC450] =	vst v2  }
0xe3: {  	[tilespmem:s9+$0xC460] =	vst v2  }
0xe4: {  	[tilespmem:s9+$0xC470] =	vst v2  }
0xe5: {  	[tilespmem:s9+$0xE000] =	vst v2  }
0xe6: {  	[tilespmem:s9+$0xE010] =	vst v2  }
0xe7: {  	[tilespmem:s9+$0xE020] =	vst v2  }
0xe8: {  	[tilespmem:s9+$0xE030] =	vst v2  }
0xe9: {  	[tilespmem:s9+$0xE040] =	vst v2  }
0xea: {  	[tilespmem:s9+$0xE050] =	vst v2  }
0xeb: {  	[tilespmem:s9+$0xE060] =	vst v2  }
0xec: {  	[tilespmem:s9+$0xE070] =	vst v2  }
0xed: {  	[tilespmem:s9+$0xE400] =	vst v2  }
0xee: {  	[tilespmem:s9+$0xE410] =	vst v2  }
0xef: {  	[tilespmem:s9+$0xE420] =	vst v2  }
0xf0: {  	[tilespmem:s9+$0xE430] =	vst v2  }
0xf1: {  	[tilespmem:s9+$0xE440] =	vst v2  }
0xf2: {  	[tilespmem:s9+$0xE450] =	vst v2  }
0xf3: {  	s16 =	simm.s32 $0x0;
	s6 =	rddreg [dreg:$0x5];
	[tilespmem:s9+$0xE460] =	vst v2  }
0xf4: {  	[tilespmem:s16], [sflag:$0x1] =	stream.linear.gather [hbm4b:s6+s16], $0x2000, $0x38;
	[tilespmem:$0x14080] =	vst v63  }
0xf5: {  	s9 =	rddreg [dreg:$0x6]  }
0xf6: {  	[tilespmem:s18], [sflag:$0x2] =	stream.linear.gather [hbm4b:s9+s16], $0x2000, $0x38;
	[tilespmem:$0x14080] =	vst v63  }
0xf7: {  	s10 =	rddreg [dreg:$0x7]  }
0xf8: {  	[tilespmem:s19], [sflag:$0x3] =	stream.linear.gather [hbm4b:s10+s16], $0x2000, $0x38;
	[tilespmem:$0x14080] =	vst v63  }
0xf9: {  	s15 =	rddreg [dreg:$0x8];
	v10 =	vmax.f32 v10, $0.0e+00  }
0xfa: {  	v10 =	vmin.f32 v10, $5.000000000e+02;
	[tilespmem:s20], [sflag:$0x4] =	stream.linear.gather [hbm4b:s15+s16], $0x2000, $0x38;
	[tilespmem:$0x14080] =	vst v63  }
.LBB2_4:
0xfb: {  	_ =	swait.ge [sflag:s21], $0x2000  }
0xfc: {  	p0 =	seq.s32 s16, $0x0;
	[sflag:s21] =	ssyncset.done $0x0  }
0xfd: {  	s8 =	simm.s32 @!p0 $0x5;
	[sflag:s21] =	ssyncadd.s32 $0xFFFFE000  }
0xfe: {  	_ =	swait.ge @!p0 [sflag:s8], $0x2000  }
0xff: {  	[sflag:s8] =	ssyncset.done @!p0 $0x0  }
0x100: {  	s10 =	simm.s32 @!p0 $0x9;
	[sflag:s8] =	ssyncadd.s32 @!p0 $0xFFFFE000  }
0x101: {  	s9 =	sshll.u32 s16, $0x7;
	_ =	swait.ge @!p0 [sflag:s10], $0x1000  }
0x102: {  	p1 =	por $0x1, $0x1;
	s9 =	sor.u32 s5, s9;
	[sflag:s10] =	ssyncset.done @!p0 $0x0  }
0x103: {  	s8 =	sshll.u32 s16, $0xC;
	[sflag:s10] =	ssyncadd.s32 @!p0 $0xFFFFF000;
	s10 =	simm.s32 $0x0  }
.LBB2_5:
0x104: {  	v11 =	vor.u32 s10, v0  }
0x105: {  	v12 =	vshll.u32 v11, $0x8  }
0x106: {  	v12 =	vand.u32 $0x1800, v12  }
0x107: {  	v13 =	vor.u32 v1, v12  }
0x108: {  	v14 =	vor.u32 v3, v12  }
0x109: {  	v15 =	vor.u32 v4, v12  }
0x10a: {  	v16 =	vor.u32 v5, v12  }
0x10b: {  	v17 =	vor.u32 v6, v12  }
0x10c: {  	v19 =	vor.u32 v7, v12;
	v18 =	vld.idx.msk [tilespmem:v13+s4+$0x0], $0xffff  }
0x10d: {  	v21 =	vor.u32 v8, v12;
	v20 =	vld.idx.msk [tilespmem:v14+s4+$0x0], $0xffff  }
0x10e: {  	v22 =	vld.idx.msk [tilespmem:v15+s4+$0x0], $0xffff  }
0x10f: {  	v12 =	vor.u32 v9, v12;
	v23 =	vld.idx.msk [tilespmem:v16+s4+$0x0], $0xffff  }
0x110: {  	v24 =	vld.idx.msk [tilespmem:v17+s4+$0x0], $0xffff  }
0x111: {  	v25 =	vld.idx.msk [tilespmem:v19+s4+$0x0], $0xffff  }
0x112: {  	v26 =	vld.idx.msk [tilespmem:v21+s4+$0x0], $0xffff;
	v18 =	vxor.u32 $0x80000000, v18  }
0x113: {  	v22 =	vxor.u32 $0x80000000, v22;
	v27 =	vmax.f32 v18, v20  }
0x114: {  	v28 =	vld.idx.msk [tilespmem:v12+s4+$0x0], $0xffff;
	v27 =	vmax.f32 v27, v22  }
0x115: {  	v24 =	vxor.u32 $0x80000000, v24;
	v27 =	vmax.f32 v27, v23  }
0x116: {  	v27 =	vmax.f32 v27, v24  }
0x117: {  	v26 =	vxor.u32 $0x80000000, v26;
	v27 =	vmax.f32 v27, v25  }
0x118: {  	v27 =	vmax.f32 v27, v26  }
0x119: {  	v27 =	vmax.f32 v27, v28  }
0x11a: {  	v18 =	vsub.f32 v18, v27  }
0x11b: {  	v20 =	vsub.f32 v20, v27  }
0x11c: {  	v18 =	vmul.f32 $1.442695020e+00, v18  }
0x11d: {  	v22 =	vsub.f32 v22, v27;
	v20 =	vmul.f32 $1.442695020e+00, v20  }
0x11e: {  	(erf) = vpow2.f32 v18  }
0x11f: {  	v32 =	vsub.f32 v23, v27;
	v31 =	vmul.f32 $1.442695020e+00, v22;
	(erf) = vpow2.f32 v20;
	_ =	sdelay $0x1  }
0x120: {  	v34 =	vsub.f32 v24, v27;
	v33 =	vmul.f32 $1.442695020e+00, v32;
	(erf) = vpow2.f32 v31;
	_ =	sdelay $0x1  }
0x121: {  	v36 =	vsub.f32 v25, v27;
	v35 =	vmul.f32 $1.442695020e+00, v34;
	(erf) = vpow2.f32 v33;
	_ =	sdelay $0x1  }
0x122: {  	v38 =	vsub.f32 v26, v27;
	v37 =	vmul.f32 $1.442695020e+00, v36;
	(erf) = vpow2.f32 v35;
	_ =	sdelay $0x1  }
0x123: {  	v41 =	vsub.f32 v28, v27;
	v40 =	vmul.f32 $1.442695020e+00, v38;
	v39 =	vpop (erf);
	(erf) = vpow2.f32 v37  }
0x124: {  	v42 =	vpop (erf)  }
0x125: {  	v43 =	vmul.f32 $1.442695020e+00, v41;
	(erf) = vpow2.f32 v40;
	v44 =	vadd.f32 v42, v39  }
0x126: {  	v45 =	vpop (erf)  }
0x127: {  	(erf) = vpow2.f32 v43;
	v46 =	vadd.f32 v44, v45  }
0x128: {  	v47 =	vpop (erf)  }
0x129: {  	v18 =	vadd.f32 v46, v47  }
0x12a: {  	v48 =	vpop (erf)  }
0x12b: {  	v18 =	vadd.f32 v18, v48  }
0x12c: {  	v49 =	vpop (erf)  }
0x12d: {  	v18 =	vadd.f32 v18, v49  }
0x12e: {  	v50 =	vpop (erf)  }
0x12f: {  	v18 =	vadd.f32 v18, v50  }
0x130: {  	v51 =	vpop (erf)  }
0x131: {  	v18 =	vadd.f32 v18, v51;
	_ =	sdelay $0x1  }
0x132: {  	(erf) = vrcp.f32 v18;
	_ =	sdelay $0x8  }
0x133: {  	v18 =	vpop (erf)  }
0x134: {  	v18 =	vmul.f32 v18, v10  }
0x135: {  	v11 =	vshll.u32 v11, $0x7  }
0x136: {  	v29 =	vxor.u32 $0x80000000, v18  }
0x137: {  	v30 =	vor.u32 $0x1, v11;
	v22 =	vmul.f32 v29, v39;
	_ =	sdelay $0x1  }
0x138: {  	v53 =	vor.u32 $0x2, v11;
	v52 =	vmul.f32 v18, v42;
	[tilespmem:v13+s22+$0x0] =	vst.idx.msk $0xffff, v22  }
0x139: {  	[tilespmem:v11+s23+$0x0] =	vst.idx.msk $0xffff, v22  }
0x13a: {  	v55 =	vor.u32 $0x3, v11;
	v54 =	vmul.f32 v29, v45;
	[tilespmem:v14+s22+$0x0] =	vst.idx.msk $0xffff, v52  }
0x13b: {  	[tilespmem:v30+s23+$0x0] =	vst.idx.msk $0xffff, v52  }
0x13c: {  	v57 =	vor.u32 $0x4, v11;
	v56 =	vmul.f32 v18, v47;
	[tilespmem:v15+s22+$0x0] =	vst.idx.msk $0xffff, v54  }
0x13d: {  	[tilespmem:v53+s23+$0x0] =	vst.idx.msk $0xffff, v54  }
0x13e: {  	v59 =	vor.u32 $0x5, v11;
	v58 =	vmul.f32 v29, v48;
	[tilespmem:v16+s22+$0x0] =	vst.idx.msk $0xffff, v56  }
0x13f: {  	[tilespmem:v55+s23+$0x0] =	vst.idx.msk $0xffff, v56  }
0x140: {  	v61 =	vor.u32 $0x6, v11;
	v60 =	vmul.f32 v18, v49;
	[tilespmem:v17+s22+$0x0] =	vst.idx.msk $0xffff, v58  }
0x141: {  	[tilespmem:v57+s23+$0x0] =	vst.idx.msk $0xffff, v58  }
0x142: {  	p2 =	por p1, p1;
	v62 =	vmul.f32 v29, v50;
	v11 =	vor.u32 $0x7, v11;
	[tilespmem:v19+s22+$0x0] =	vst.idx.msk $0xffff, v60  }
.Ltmp3:
0x143: {  	[tilespmem:v59+s23+$0x0] =	vst.idx.msk $0xffff, v60;
	(pc) =	sbr.rel @p2 .LBB2_5-.Ltmp3, $4  }
0x144: {  	v63 =	vmul.f32 v18, v51;
	[tilespmem:v21+s22+$0x0] =	vst.idx.msk $0xffff, v62  }
0x145: {  	[tilespmem:v61+s23+$0x0] =	vst.idx.msk $0xffff, v62  }
0x146: {  	[tilespmem:v12+s22+$0x0] =	vst.idx.msk $0xffff, v63  }
0x147: {  	s10 =	simm.s32 $0x10;
	p1 =	por $0x0, $0x0;
	[tilespmem:v11+s23+$0x0] =	vst.idx.msk $0xffff, v63  }
0x148: {  	s10 =	sshll.u32 s9, $0x5  }
0x149: {  	s15 =	sshll.u32 s9, $0x4;
	s10 =	sadd.s32 s3, s10  }
0x14a: {  	[hbm4b:s10+s4] =	stream.linear.scatter [tilespmem:s22], [sflag:$0x5], $0x2000, $0x38;
	[tilespmem:$0x14080] =	vst v63  }
0x14b: {  	p1 =	seq.s32 s16, $0xF;
	s10 =	sadd.s32 s7, s15  }
0x14c: {  	[hbm4b:s10+s4] =	stream.linear.scatter [tilespmem:s23], [sflag:$0x9], $0x1000, $0x38;
	[tilespmem:$0x14080] =	vst v63  }
0x14d: {  	s15 =	simm.s32 @!p1 $0x0;
	s10 =	sadd.s32 @!p1 s8, s11  }
0x14e: {  	[tilespmem:s15], [sflag:$0x1] =	stream.linear.gather @!p1 [hbm4b:s10+s15], $0x2000, $0x38;
	[tilespmem:$0x14080] =	vst v63  }
0x14f: {  	_ =	swait.ge [sflag:s24], $0x2000  }
0x150: {  	[sflag:s24] =	ssyncset.done $0x0  }
0x151: {  	s10 =	simm.s32 @!p0 $0x6;
	[sflag:s24] =	ssyncadd.s32 $0xFFFFE000  }
0x152: {  	_ =	swait.ge @!p0 [sflag:s10], $0x2000  }
0x153: {  	[sflag:s10] =	ssyncset.done @!p0 $0x0  }
0x154: {  	s15 =	simm.s32 @!p0 $0xA;
	[sflag:s10] =	ssyncadd.s32 @!p0 $0xFFFFE000  }
0x155: {  	_ =	swait.ge @!p0 [sflag:s15], $0x1000  }
0x156: {  	p2 =	por $0x1, $0x1;
	[sflag:s15] =	ssyncset.done @!p0 $0x0  }
0x157: {  	s10 =	sor.u32 $0x20, s9;
	[sflag:s15] =	ssyncadd.s32 @!p0 $0xFFFFF000;
	s15 =	simm.s32 $0x0  }
.LBB2_7:
0x158: {  	v11 =	vor.u32 s15, v0  }
0x159: {  	v12 =	vshll.u32 v11, $0x8  }
0x15a: {  	v12 =	vand.u32 $0x1800, v12  }
0x15b: {  	v13 =	vor.u32 v1, v12  }
0x15c: {  	v14 =	vor.u32 v3, v12  }
0x15d: {  	v15 =	vor.u32 v4, v12  }
0x15e: {  	v16 =	vor.u32 v5, v12  }
0x15f: {  	v17 =	vor.u32 v6, v12  }
0x160: {  	v19 =	vor.u32 v7, v12;
	v18 =	vld.idx.msk [tilespmem:v13+s18+$0x0], $0xffff  }
0x161: {  	v21 =	vor.u32 v8, v12;
	v20 =	vld.idx.msk [tilespmem:v14+s18+$0x0], $0xffff  }
0x162: {  	v22 =	vld.idx.msk [tilespmem:v15+s18+$0x0], $0xffff  }
0x163: {  	v12 =	vor.u32 v9, v12;
	v23 =	vld.idx.msk [tilespmem:v16+s18+$0x0], $0xffff  }
0x164: {  	v24 =	vld.idx.msk [tilespmem:v17+s18+$0x0], $0xffff  }
0x165: {  	v25 =	vld.idx.msk [tilespmem:v19+s18+$0x0], $0xffff  }
0x166: {  	v26 =	vld.idx.msk [tilespmem:v21+s18+$0x0], $0xffff;
	v18 =	vxor.u32 $0x80000000, v18  }
0x167: {  	v22 =	vxor.u32 $0x80000000, v22;
	v27 =	vmax.f32 v18, v20  }
0x168: {  	v28 =	vld.idx.msk [tilespmem:v12+s18+$0x0], $0xffff;
	v27 =	vmax.f32 v27, v22  }
0x169: {  	v24 =	vxor.u32 $0x80000000, v24;
	v27 =	vmax.f32 v27, v23  }
0x16a: {  	v27 =	vmax.f32 v27, v24  }
0x16b: {  	v26 =	vxor.u32 $0x80000000, v26;
	v27 =	vmax.f32 v27, v25  }
0x16c: {  	v27 =	vmax.f32 v27, v26  }
0x16d: {  	v27 =	vmax.f32 v27, v28  }
0x16e: {  	v18 =	vsub.f32 v18, v27  }
0x16f: {  	v20 =	vsub.f32 v20, v27  }
0x170: {  	v18 =	vmul.f32 $1.442695020e+00, v18  }
0x171: {  	v22 =	vsub.f32 v22, v27;
	v20 =	vmul.f32 $1.442695020e+00, v20  }
0x172: {  	(erf) = vpow2.f32 v18  }
0x173: {  	v32 =	vsub.f32 v23, v27;
	v31 =	vmul.f32 $1.442695020e+00, v22;
	(erf) = vpow2.f32 v20;
	_ =	sdelay $0x1  }
0x174: {  	v34 =	vsub.f32 v24, v27;
	v33 =	vmul.f32 $1.442695020e+00, v32;
	(erf) = vpow2.f32 v31;
	_ =	sdelay $0x1  }
0x175: {  	v36 =	vsub.f32 v25, v27;
	v35 =	vmul.f32 $1.442695020e+00, v34;
	(erf) = vpow2.f32 v33;
	_ =	sdelay $0x1  }
0x176: {  	v38 =	vsub.f32 v26, v27;
	v37 =	vmul.f32 $1.442695020e+00, v36;
	(erf) = vpow2.f32 v35;
	_ =	sdelay $0x1  }
0x177: {  	v41 =	vsub.f32 v28, v27;
	v40 =	vmul.f32 $1.442695020e+00, v38;
	v39 =	vpop (erf);
	(erf) = vpow2.f32 v37  }
0x178: {  	v42 =	vpop (erf)  }
0x179: {  	v43 =	vmul.f32 $1.442695020e+00, v41;
	(erf) = vpow2.f32 v40;
	v44 =	vadd.f32 v42, v39  }
0x17a: {  	v45 =	vpop (erf)  }
0x17b: {  	(erf) = vpow2.f32 v43;
	v46 =	vadd.f32 v44, v45  }
0x17c: {  	v47 =	vpop (erf)  }
0x17d: {  	v18 =	vadd.f32 v46, v47  }
0x17e: {  	v48 =	vpop (erf)  }
0x17f: {  	v18 =	vadd.f32 v18, v48  }
0x180: {  	v49 =	vpop (erf)  }
0x181: {  	v18 =	vadd.f32 v18, v49  }
0x182: {  	v50 =	vpop (erf)  }
0x183: {  	v18 =	vadd.f32 v18, v50  }
0x184: {  	v51 =	vpop (erf)  }
0x185: {  	v18 =	vadd.f32 v18, v51;
	_ =	sdelay $0x1  }
0x186: {  	(erf) = vrcp.f32 v18;
	_ =	sdelay $0x8  }
0x187: {  	v18 =	vpop (erf)  }
0x188: {  	v18 =	vmul.f32 v18, v10  }
0x189: {  	v11 =	vshll.u32 v11, $0x7  }
0x18a: {  	v29 =	vxor.u32 $0x80000000, v18  }
0x18b: {  	v30 =	vor.u32 $0x1, v11;
	v22 =	vmul.f32 v29, v39;
	_ =	sdelay $0x1  }
0x18c: {  	v53 =	vor.u32 $0x2, v11;
	v52 =	vmul.f32 v18, v42;
	[tilespmem:v13+s25+$0x0] =	vst.idx.msk $0xffff, v22  }
0x18d: {  	[tilespmem:v11+s26+$0x0] =	vst.idx.msk $0xffff, v22  }
0x18e: {  	v55 =	vor.u32 $0x3, v11;
	v54 =	vmul.f32 v29, v45;
	[tilespmem:v14+s25+$0x0] =	vst.idx.msk $0xffff, v52  }
0x18f: {  	[tilespmem:v30+s26+$0x0] =	vst.idx.msk $0xffff, v52  }
0x190: {  	v57 =	vor.u32 $0x4, v11;
	v56 =	vmul.f32 v18, v47;
	[tilespmem:v15+s25+$0x0] =	vst.idx.msk $0xffff, v54  }
0x191: {  	[tilespmem:v53+s26+$0x0] =	vst.idx.msk $0xffff, v54  }
0x192: {  	v59 =	vor.u32 $0x5, v11;
	v58 =	vmul.f32 v29, v48;
	[tilespmem:v16+s25+$0x0] =	vst.idx.msk $0xffff, v56  }
0x193: {  	[tilespmem:v55+s26+$0x0] =	vst.idx.msk $0xffff, v56  }
0x194: {  	v61 =	vor.u32 $0x6, v11;
	v60 =	vmul.f32 v18, v49;
	[tilespmem:v17+s25+$0x0] =	vst.idx.msk $0xffff, v58  }
0x195: {  	[tilespmem:v57+s26+$0x0] =	vst.idx.msk $0xffff, v58  }
0x196: {  	p3 =	por p2, p2;
	v62 =	vmul.f32 v29, v50;
	v11 =	vor.u32 $0x7, v11;
	[tilespmem:v19+s25+$0x0] =	vst.idx.msk $0xffff, v60  }
.Ltmp4:
0x197: {  	[tilespmem:v59+s26+$0x0] =	vst.idx.msk $0xffff, v60;
	(pc) =	sbr.rel @p3 .LBB2_7-.Ltmp4, $4  }
0x198: {  	v63 =	vmul.f32 v18, v51;
	[tilespmem:v21+s25+$0x0] =	vst.idx.msk $0xffff, v62  }
0x199: {  	[tilespmem:v61+s26+$0x0] =	vst.idx.msk $0xffff, v62  }
0x19a: {  	[tilespmem:v12+s25+$0x0] =	vst.idx.msk $0xffff, v63  }
0x19b: {  	s15 =	simm.s32 $0x10;
	p2 =	por $0x0, $0x0;
	[tilespmem:v11+s26+$0x0] =	vst.idx.msk $0xffff, v63  }
0x19c: {  	s15 =	sshll.u32 s10, $0x5  }
0x19d: {  	s15 =	sadd.s32 s3, s15  }
0x19e: {  	[hbm4b:s15+s4] =	stream.linear.scatter [tilespmem:s25], [sflag:$0x6], $0x2000, $0x38;
	[tilespmem:$0x14080] =	vst v63  }
0x19f: {  	s15 =	sshll.u32 s10, $0x4  }
0x1a0: {  	s10 =	sadd.s32 s7, s15  }
0x1a1: {  	[hbm4b:s10+s4] =	stream.linear.scatter [tilespmem:s26], [sflag:$0xA], $0x1000, $0x38;
	[tilespmem:$0x14080] =	vst v63  }
0x1a2: {  	s6 =	simm.s32 @!p1 $0x2000;
	s15 =	simm.s32 @!p1 $0x0;
	s10 =	sadd.s32 @!p1 s8, s12  }
0x1a3: {  	[tilespmem:s6], [sflag:$0x2] =	stream.linear.gather @!p1 [hbm4b:s10+s15], $0x2000, $0x38;
	[tilespmem:$0x14080] =	vst v63  }
0x1a4: {  	_ =	swait.ge [sflag:s28], $0x2000  }
0x1a5: {  	[sflag:s28] =	ssyncset.done $0x0  }
0x1a6: {  	s6 =	simm.s32 @!p0 $0x7;
	[sflag:s28] =	ssyncadd.s32 $0xFFFFE000  }
0x1a7: {  	_ =	swait.ge @!p0 [sflag:s6], $0x2000  }
0x1a8: {  	[sflag:s6] =	ssyncset.done @!p0 $0x0  }
0x1a9: {  	[sflag:s6] =	ssyncadd.s32 @!p0 $0xFFFFE000;
	s6 =	simm.s32 @!p0 $0xB  }
0x1aa: {  	_ =	swait.ge @!p0 [sflag:s6], $0x1000  }
0x1ab: {  	p2 =	por $0x1, $0x1;
	[sflag:s6] =	ssyncset.done @!p0 $0x0  }
0x1ac: {  	s10 =	sor.u32 $0x40, s9;
	s15 =	simm.s32 $0x0;
	[sflag:s6] =	ssyncadd.s32 @!p0 $0xFFFFF000  }
.LBB2_9:
0x1ad: {  	v11 =	vor.u32 s15, v0  }
0x1ae: {  	v12 =	vshll.u32 v11, $0x8  }
0x1af: {  	v12 =	vand.u32 $0x1800, v12  }
0x1b0: {  	v13 =	vor.u32 v1, v12  }
0x1b1: {  	v14 =	vor.u32 v3, v12  }
0x1b2: {  	v15 =	vor.u32 v4, v12  }
0x1b3: {  	v16 =	vor.u32 v5, v12  }
0x1b4: {  	v17 =	vor.u32 v6, v12  }
0x1b5: {  	v19 =	vor.u32 v7, v12;
	v18 =	vld.idx.msk [tilespmem:v13+s19+$0x0], $0xffff  }
0x1b6: {  	v21 =	vor.u32 v8, v12;
	v20 =	vld.idx.msk [tilespmem:v14+s19+$0x0], $0xffff  }
0x1b7: {  	v22 =	vld.idx.msk [tilespmem:v15+s19+$0x0], $0xffff  }
0x1b8: {  	v12 =	vor.u32 v9, v12;
	v23 =	vld.idx.msk [tilespmem:v16+s19+$0x0], $0xffff  }
0x1b9: {  	v24 =	vld.idx.msk [tilespmem:v17+s19+$0x0], $0xffff  }
0x1ba: {  	v25 =	vld.idx.msk [tilespmem:v19+s19+$0x0], $0xffff  }
0x1bb: {  	v26 =	vld.idx.msk [tilespmem:v21+s19+$0x0], $0xffff;
	v18 =	vxor.u32 $0x80000000, v18  }
0x1bc: {  	v22 =	vxor.u32 $0x80000000, v22;
	v27 =	vmax.f32 v18, v20  }
0x1bd: {  	v28 =	vld.idx.msk [tilespmem:v12+s19+$0x0], $0xffff;
	v27 =	vmax.f32 v27, v22  }
0x1be: {  	v24 =	vxor.u32 $0x80000000, v24;
	v27 =	vmax.f32 v27, v23  }
0x1bf: {  	v27 =	vmax.f32 v27, v24  }
0x1c0: {  	v26 =	vxor.u32 $0x80000000, v26;
	v27 =	vmax.f32 v27, v25  }
0x1c1: {  	v27 =	vmax.f32 v27, v26  }
0x1c2: {  	v27 =	vmax.f32 v27, v28  }
0x1c3: {  	v18 =	vsub.f32 v18, v27  }
0x1c4: {  	v20 =	vsub.f32 v20, v27  }
0x1c5: {  	v18 =	vmul.f32 $1.442695020e+00, v18  }
0x1c6: {  	v22 =	vsub.f32 v22, v27;
	v20 =	vmul.f32 $1.442695020e+00, v20  }
0x1c7: {  	(erf) = vpow2.f32 v18  }
0x1c8: {  	v32 =	vsub.f32 v23, v27;
	v31 =	vmul.f32 $1.442695020e+00, v22;
	(erf) = vpow2.f32 v20;
	_ =	sdelay $0x1  }
0x1c9: {  	v34 =	vsub.f32 v24, v27;
	v33 =	vmul.f32 $1.442695020e+00, v32;
	(erf) = vpow2.f32 v31;
	_ =	sdelay $0x1  }
0x1ca: {  	v36 =	vsub.f32 v25, v27;
	v35 =	vmul.f32 $1.442695020e+00, v34;
	(erf) = vpow2.f32 v33;
	_ =	sdelay $0x1  }
0x1cb: {  	v38 =	vsub.f32 v26, v27;
	v37 =	vmul.f32 $1.442695020e+00, v36;
	(erf) = vpow2.f32 v35;
	_ =	sdelay $0x1  }
0x1cc: {  	v41 =	vsub.f32 v28, v27;
	v40 =	vmul.f32 $1.442695020e+00, v38;
	v39 =	vpop (erf);
	(erf) = vpow2.f32 v37  }
0x1cd: {  	v42 =	vpop (erf)  }
0x1ce: {  	v43 =	vmul.f32 $1.442695020e+00, v41;
	(erf) = vpow2.f32 v40;
	v44 =	vadd.f32 v42, v39  }
0x1cf: {  	v45 =	vpop (erf)  }
0x1d0: {  	(erf) = vpow2.f32 v43;
	v46 =	vadd.f32 v44, v45  }
0x1d1: {  	v47 =	vpop (erf)  }
0x1d2: {  	v18 =	vadd.f32 v46, v47  }
0x1d3: {  	v48 =	vpop (erf)  }
0x1d4: {  	v18 =	vadd.f32 v18, v48  }
0x1d5: {  	v49 =	vpop (erf)  }
0x1d6: {  	v18 =	vadd.f32 v18, v49  }
0x1d7: {  	v50 =	vpop (erf)  }
0x1d8: {  	v18 =	vadd.f32 v18, v50  }
0x1d9: {  	v51 =	vpop (erf)  }
0x1da: {  	v18 =	vadd.f32 v18, v51;
	_ =	sdelay $0x1  }
0x1db: {  	(erf) = vrcp.f32 v18;
	_ =	sdelay $0x8  }
0x1dc: {  	v18 =	vpop (erf)  }
0x1dd: {  	v18 =	vmul.f32 v18, v10  }
0x1de: {  	v11 =	vshll.u32 v11, $0x7  }
0x1df: {  	v29 =	vxor.u32 $0x80000000, v18  }
0x1e0: {  	v30 =	vor.u32 $0x1, v11;
	v22 =	vmul.f32 v29, v39;
	_ =	sdelay $0x1  }
0x1e1: {  	v53 =	vor.u32 $0x2, v11;
	v52 =	vmul.f32 v18, v42;
	[tilespmem:v13+s29+$0x0] =	vst.idx.msk $0xffff, v22  }
0x1e2: {  	[tilespmem:v11+s30+$0x0] =	vst.idx.msk $0xffff, v22  }
0x1e3: {  	v55 =	vor.u32 $0x3, v11;
	v54 =	vmul.f32 v29, v45;
	[tilespmem:v14+s29+$0x0] =	vst.idx.msk $0xffff, v52  }
0x1e4: {  	[tilespmem:v30+s30+$0x0] =	vst.idx.msk $0xffff, v52  }
0x1e5: {  	v57 =	vor.u32 $0x4, v11;
	v56 =	vmul.f32 v18, v47;
	[tilespmem:v15+s29+$0x0] =	vst.idx.msk $0xffff, v54  }
0x1e6: {  	[tilespmem:v53+s30+$0x0] =	vst.idx.msk $0xffff, v54  }
0x1e7: {  	v59 =	vor.u32 $0x5, v11;
	v58 =	vmul.f32 v29, v48;
	[tilespmem:v16+s29+$0x0] =	vst.idx.msk $0xffff, v56  }
0x1e8: {  	[tilespmem:v55+s30+$0x0] =	vst.idx.msk $0xffff, v56  }
0x1e9: {  	v61 =	vor.u32 $0x6, v11;
	v60 =	vmul.f32 v18, v49;
	[tilespmem:v17+s29+$0x0] =	vst.idx.msk $0xffff, v58  }
0x1ea: {  	[tilespmem:v57+s30+$0x0] =	vst.idx.msk $0xffff, v58  }
0x1eb: {  	p3 =	por p2, p2;
	v62 =	vmul.f32 v29, v50;
	v11 =	vor.u32 $0x7, v11;
	[tilespmem:v19+s29+$0x0] =	vst.idx.msk $0xffff, v60  }
.Ltmp5:
0x1ec: {  	[tilespmem:v59+s30+$0x0] =	vst.idx.msk $0xffff, v60;
	(pc) =	sbr.rel @p3 .LBB2_9-.Ltmp5, $4  }
0x1ed: {  	v63 =	vmul.f32 v18, v51;
	[tilespmem:v21+s29+$0x0] =	vst.idx.msk $0xffff, v62  }
0x1ee: {  	[tilespmem:v61+s30+$0x0] =	vst.idx.msk $0xffff, v62  }
0x1ef: {  	[tilespmem:v12+s29+$0x0] =	vst.idx.msk $0xffff, v63  }
0x1f0: {  	s15 =	simm.s32 $0x10;
	p2 =	por $0x0, $0x0;
	[tilespmem:v11+s30+$0x0] =	vst.idx.msk $0xffff, v63  }
0x1f1: {  	s6 =	sshll.u32 s10, $0x5  }
0x1f2: {  	s15 =	sshll.u32 s10, $0x4;
	s6 =	sadd.s32 s3, s6  }
0x1f3: {  	[hbm4b:s6+s4] =	stream.linear.scatter [tilespmem:s29], [sflag:$0x7], $0x2000, $0x38;
	[tilespmem:$0x14080] =	vst v63  }
0x1f4: {  	s6 =	sadd.s32 s7, s15  }
0x1f5: {  	[hbm4b:s6+s4] =	stream.linear.scatter [tilespmem:s30], [sflag:$0xB], $0x1000, $0x38;
	[tilespmem:$0x14080] =	vst v63  }
0x1f6: {  	s10 =	simm.s32 @!p1 $0x0;
	s15 =	simm.s32 @!p1 $0x4000;
	s6 =	sadd.s32 @!p1 s8, s13  }
0x1f7: {  	[tilespmem:s15], [sflag:$0x3] =	stream.linear.gather @!p1 [hbm4b:s6+s10], $0x2000, $0x38;
	[tilespmem:$0x14080] =	vst v63  }
0x1f8: {  	_ =	swait.ge [sflag:s31], $0x2000  }
0x1f9: {  	[sflag:s31] =	ssyncset.done $0x0  }
0x1fa: {  	s6 =	simm.s32 @!p0 $0x8;
	[sflag:s31] =	ssyncadd.s32 $0xFFFFE000  }
0x1fb: {  	_ =	swait.ge @!p0 [sflag:s6], $0x2000  }
0x1fc: {  	[sflag:s6] =	ssyncset.done @!p0 $0x0  }
0x1fd: {  	[sflag:s6] =	ssyncadd.s32 @!p0 $0xFFFFE000;
	s6 =	simm.s32 @!p0 $0xC  }
0x1fe: {  	_ =	swait.ge @!p0 [sflag:s6], $0x1000  }
0x1ff: {  	s9 =	sor.u32 $0x60, s9;
	[sflag:s6] =	ssyncset.done @!p0 $0x0  }
0x200: {  	s10 =	simm.s32 $0x0;
	[sflag:s6] =	ssyncadd.s32 @!p0 $0xFFFFF000;
	p0 =	por $0x1, $0x1  }
.LBB2_11:
0x201: {  	v11 =	vor.u32 s10, v0  }
0x202: {  	v12 =	vshll.u32 v11, $0x8  }
0x203: {  	v12 =	vand.u32 $0x1800, v12  }
0x204: {  	v13 =	vor.u32 v1, v12  }
0x205: {  	v14 =	vor.u32 v3, v12  }
0x206: {  	v15 =	vor.u32 v4, v12  }
0x207: {  	v16 =	vor.u32 v5, v12  }
0x208: {  	v17 =	vor.u32 v6, v12  }
0x209: {  	v19 =	vor.u32 v7, v12;
	v18 =	vld.idx.msk [tilespmem:v13+s20+$0x0], $0xffff  }
0x20a: {  	v21 =	vor.u32 v8, v12;
	v20 =	vld.idx.msk [tilespmem:v14+s20+$0x0], $0xffff  }
0x20b: {  	v22 =	vld.idx.msk [tilespmem:v15+s20+$0x0], $0xffff  }
0x20c: {  	v12 =	vor.u32 v9, v12;
	v23 =	vld.idx.msk [tilespmem:v16+s20+$0x0], $0xffff  }
0x20d: {  	v24 =	vld.idx.msk [tilespmem:v17+s20+$0x0], $0xffff  }
0x20e: {  	v25 =	vld.idx.msk [tilespmem:v19+s20+$0x0], $0xffff  }
0x20f: {  	v26 =	vld.idx.msk [tilespmem:v21+s20+$0x0], $0xffff;
	v18 =	vxor.u32 $0x80000000, v18  }
0x210: {  	v22 =	vxor.u32 $0x80000000, v22;
	v27 =	vmax.f32 v18, v20  }
0x211: {  	v28 =	vld.idx.msk [tilespmem:v12+s20+$0x0], $0xffff;
	v27 =	vmax.f32 v27, v22  }
0x212: {  	v24 =	vxor.u32 $0x80000000, v24;
	v27 =	vmax.f32 v27, v23  }
0x213: {  	v27 =	vmax.f32 v27, v24  }
0x214: {  	v26 =	vxor.u32 $0x80000000, v26;
	v27 =	vmax.f32 v27, v25  }
0x215: {  	v27 =	vmax.f32 v27, v26  }
0x216: {  	v27 =	vmax.f32 v27, v28  }
0x217: {  	v18 =	vsub.f32 v18, v27  }
0x218: {  	v20 =	vsub.f32 v20, v27  }
0x219: {  	v18 =	vmul.f32 $1.442695020e+00, v18  }
0x21a: {  	v22 =	vsub.f32 v22, v27;
	v20 =	vmul.f32 $1.442695020e+00, v20  }
0x21b: {  	(erf) = vpow2.f32 v18  }
0x21c: {  	v32 =	vsub.f32 v23, v27;
	v31 =	vmul.f32 $1.442695020e+00, v22;
	(erf) = vpow2.f32 v20;
	_ =	sdelay $0x1  }
0x21d: {  	v34 =	vsub.f32 v24, v27;
	v33 =	vmul.f32 $1.442695020e+00, v32;
	(erf) = vpow2.f32 v31;
	_ =	sdelay $0x1  }
0x21e: {  	v36 =	vsub.f32 v25, v27;
	v35 =	vmul.f32 $1.442695020e+00, v34;
	(erf) = vpow2.f32 v33;
	_ =	sdelay $0x1  }
0x21f: {  	v38 =	vsub.f32 v26, v27;
	v37 =	vmul.f32 $1.442695020e+00, v36;
	(erf) = vpow2.f32 v35;
	_ =	sdelay $0x1  }
0x220: {  	v41 =	vsub.f32 v28, v27;
	v40 =	vmul.f32 $1.442695020e+00, v38;
	v39 =	vpop (erf);
	(erf) = vpow2.f32 v37  }
0x221: {  	v42 =	vpop (erf)  }
0x222: {  	v43 =	vmul.f32 $1.442695020e+00, v41;
	(erf) = vpow2.f32 v40;
	v44 =	vadd.f32 v42, v39  }
0x223: {  	v45 =	vpop (erf)  }
0x224: {  	(erf) = vpow2.f32 v43;
	v46 =	vadd.f32 v44, v45  }
0x225: {  	v47 =	vpop (erf)  }
0x226: {  	v18 =	vadd.f32 v46, v47  }
0x227: {  	v48 =	vpop (erf)  }
0x228: {  	v18 =	vadd.f32 v18, v48  }
0x229: {  	v49 =	vpop (erf)  }
0x22a: {  	v18 =	vadd.f32 v18, v49  }
0x22b: {  	v50 =	vpop (erf)  }
0x22c: {  	v18 =	vadd.f32 v18, v50  }
0x22d: {  	v51 =	vpop (erf)  }
0x22e: {  	v18 =	vadd.f32 v18, v51;
	_ =	sdelay $0x1  }
0x22f: {  	(erf) = vrcp.f32 v18;
	_ =	sdelay $0x8  }
0x230: {  	v18 =	vpop (erf)  }
0x231: {  	v18 =	vmul.f32 v18, v10  }
0x232: {  	v11 =	vshll.u32 v11, $0x7  }
0x233: {  	v29 =	vxor.u32 $0x80000000, v18  }
0x234: {  	v30 =	vor.u32 $0x1, v11;
	v22 =	vmul.f32 v29, v39;
	_ =	sdelay $0x1  }
0x235: {  	v53 =	vor.u32 $0x2, v11;
	v52 =	vmul.f32 v18, v42;
	[tilespmem:v13+s2+$0x0] =	vst.idx.msk $0xffff, v22  }
0x236: {  	[tilespmem:v11+s0+$0x0] =	vst.idx.msk $0xffff, v22  }
0x237: {  	v55 =	vor.u32 $0x3, v11;
	v54 =	vmul.f32 v29, v45;
	[tilespmem:v14+s2+$0x0] =	vst.idx.msk $0xffff, v52  }
0x238: {  	[tilespmem:v30+s0+$0x0] =	vst.idx.msk $0xffff, v52  }
0x239: {  	v57 =	vor.u32 $0x4, v11;
	v56 =	vmul.f32 v18, v47;
	[tilespmem:v15+s2+$0x0] =	vst.idx.msk $0xffff, v54  }
0x23a: {  	[tilespmem:v53+s0+$0x0] =	vst.idx.msk $0xffff, v54  }
0x23b: {  	v59 =	vor.u32 $0x5, v11;
	v58 =	vmul.f32 v29, v48;
	[tilespmem:v16+s2+$0x0] =	vst.idx.msk $0xffff, v56  }
0x23c: {  	[tilespmem:v55+s0+$0x0] =	vst.idx.msk $0xffff, v56  }
0x23d: {  	v61 =	vor.u32 $0x6, v11;
	v60 =	vmul.f32 v18, v49;
	[tilespmem:v17+s2+$0x0] =	vst.idx.msk $0xffff, v58  }
0x23e: {  	[tilespmem:v57+s0+$0x0] =	vst.idx.msk $0xffff, v58  }
0x23f: {  	p2 =	por p0, p0;
	v62 =	vmul.f32 v29, v50;
	v11 =	vor.u32 $0x7, v11;
	[tilespmem:v19+s2+$0x0] =	vst.idx.msk $0xffff, v60  }
.Ltmp6:
0x240: {  	[tilespmem:v59+s0+$0x0] =	vst.idx.msk $0xffff, v60;
	(pc) =	sbr.rel @p2 .LBB2_11-.Ltmp6, $4  }
0x241: {  	v63 =	vmul.f32 v18, v51;
	[tilespmem:v21+s2+$0x0] =	vst.idx.msk $0xffff, v62  }
0x242: {  	[tilespmem:v61+s0+$0x0] =	vst.idx.msk $0xffff, v62  }
0x243: {  	[tilespmem:v12+s2+$0x0] =	vst.idx.msk $0xffff, v63  }
0x244: {  	s10 =	simm.s32 $0x10;
	p0 =	por $0x0, $0x0;
	[tilespmem:v11+s0+$0x0] =	vst.idx.msk $0xffff, v63  }
.Ltmp7:
0x245: {  	s6 =	sshll.u32 s9, $0x5;
	(pc) =	sbr.rel @p1 .LBB2_14-.Ltmp7, $4  }
0x246: {  	s15 =	sshll.u32 s9, $0x4;
	s6 =	sadd.s32 s3, s6  }
0x247: {  	[hbm4b:s6+s4] =	stream.linear.scatter [tilespmem:s2], [sflag:$0x8], $0x2000, $0x38;
	[tilespmem:$0x14080] =	vst v63  }
0x248: {  	s6 =	sadd.s32 s7, s15  }
0x249: {  	[hbm4b:s6+s4] =	stream.linear.scatter [tilespmem:s0], [sflag:$0xC], $0x1000, $0x38;
	[tilespmem:$0x14080] =	vst v63  }
.Ltmp8:
0x24a: {  	(pc) =	sbr.rel .LBB2_4-.Ltmp8, $3  }
0x24b: {  	_ =	sdelay $0x1  }
0x24c: {  	s6 =	sadd.s32 s8, s14;
	s16 =	sadd.s32 $0x1, s16  }
0x24d: {  	[tilespmem:s20], [sflag:$0x4] =	stream.linear.gather [hbm4b:s6+s4], $0x2000, $0x38;
	[tilespmem:$0x14080] =	vst v63  }
.LBB2_15:
0x24e: {  	_ =	sfence.sel $0x180000  }
0x24f: {  	[bflag:$0x0] =	sbarrier.arrive $0xFFFF  }
0x250: {  	_ =	strace $0x90000047  }
0x251: {  	s0 =	stileid.u32;
	[bflag:$0x2] =	sbarrier.arrive $0xFFFF  }
0x252: {  	p0 =	sne.s32 s0, $0x0;
	s0 =	rddreg [dreg:$0x4]  }
0x253: {  	s0 =	sadd.s32 @!p0 $0x100000, s0  }
0x254: {  	[sflag:s0] =	ssyncadd.tile.s32 @!p0 $0x1;
	_ =	shalt  }
.Lfunc_end2:
_tile_overlayer_lowered:
.L_overlay_start_2:
0x255: {  	(tag) =	ssettag $0x2  }
0x256: {  	s0 =	rddreg [dreg:$0x0];
	s2 =	stileid.u32  }
0x257: {  	s1 =	rddreg [dreg:$0x1];
	p0 =	sne.s32 s2, $0x0  }
0x258: {  	s3 =	rddreg [dreg:$0x2];
	[bflag:$0x3] =	sbarrier.arrive $0xFFFF;
	s2 =	simm.s32 @!p0 $0x1C0D  }
0x259: {  	[timem:s3], [sflag:s2] =	dma.local @!p0 [hbm:s0], s1  }
0x25a: {  	s0 =	simm.s32 @!p0 $0xD  }
0x25b: {  	_ =	swait.ge @!p0 [sflag:s0], s1  }
0x25c: {  	s1 =	ssub.s32 @!p0 $0x0, s1;
	[sflag:s0] =	ssyncset.done @!p0 $0x0  }
0x25d: {  	[sflag:s0] =	ssyncadd.s32 @!p0 s1  }
0x25e: {  	[bflag:$0x3] =	sbarrier.arrive $0xFFFF  }
0x25f: {  	_ =	shalt  }

</sc_bundles>
